<compile_context>
chip_gen: v7x
topology: tpu7x:2x2x1
jax: 0.10.2.dev20260603
libtpu: 0.0.44.dev20260713+nightly
codegen_flags: <defaults>
</compile_context>

<pallas_src>
import functools

import jax
import jax.numpy as jnp
from jax import lax
from jax.experimental import pallas as pl
from jax.experimental.pallas import tpu as pltpu
from jax.experimental.pallas import tpu_sc as plsc

N = 10000
NP = 10240
E = 320000
NC = 2
NS = 16
NW = NC * NS
EPW = E // NW
CHUNK = 80
NCHUNK = EPW // CHUNK
ROWS_PT = NP // NS

_MESH = plsc.VectorSubcoreMesh(core_axis_name="c", subcore_axis_name="s")


def _make_agg(D):

  @functools.partial(
      pl.kernel,
      out_type=jax.ShapeDtypeStruct((NC, NP, D), jnp.float32),
      mesh=_MESH,
      compiler_params=pltpu.CompilerParams(use_tc_tiling_on_sc=False),
      scratch_types=[
          pltpu.VMEM((NCHUNK, CHUNK), jnp.int32),
          pltpu.VMEM((NCHUNK, CHUNK), jnp.int32),
          pltpu.VMEM((CHUNK, D), jnp.float32),
          pltpu.VMEM((CHUNK, D), jnp.float32),
          pltpu.VMEM_SHARED((NP, D), jnp.float32),
          pltpu.SemaphoreType.DMA,
          pltpu.SemaphoreType.DMA,
      ],
  )
  def agg(src_hbm, dst_hbm, g_hbm, zeros_hbm, out_hbm,
          idx_s, idx_d, rows0, rows1, acc, sem0, sem1):
    cid = lax.axis_index("c")
    sid = lax.axis_index("s")
    wid = cid * NS + sid
    r0 = sid * ROWS_PT

    @pl.when(cid == 0)
    def _():
      pltpu.sync_copy(g_hbm.at[pl.ds(r0, ROWS_PT)], acc.at[pl.ds(r0, ROWS_PT)])

    @pl.when(cid != 0)
    def _():
      pltpu.sync_copy(zeros_hbm.at[pl.ds(r0, ROWS_PT)],
                      acc.at[pl.ds(r0, ROWS_PT)])

    pltpu.sync_copy(src_hbm.at[wid], idx_s)
    pltpu.sync_copy(dst_hbm.at[wid], idx_d)
    plsc.subcore_barrier()

    @pl.loop(0, NCHUNK - 1, step=2)
    def _(j):
      ga = pltpu.async_copy(g_hbm.at[idx_s.at[j]], rows0, sem0)
      gb = pltpu.async_copy(g_hbm.at[idx_s.at[j + 1]], rows1, sem1)
      ga.wait()
      pltpu.sync_copy(rows0, acc.at[idx_d.at[j]], add=True)
      gb.wait()
      pltpu.sync_copy(rows1, acc.at[idx_d.at[j + 1]], add=True)

    j = NCHUNK - 1
    pltpu.async_copy(g_hbm.at[idx_s.at[j]], rows0, sem0).wait()
    pltpu.sync_copy(rows0, acc.at[idx_d.at[j]], add=True)

    plsc.subcore_barrier()
    pltpu.sync_copy(acc.at[pl.ds(r0, ROWS_PT)],
                    out_hbm.at[cid, pl.ds(r0, ROWS_PT)])

  return agg


_agg32 = _make_agg(32)

DEG_W = 8


@functools.partial(
    pl.kernel,
    out_type=jax.ShapeDtypeStruct((NC, NP, DEG_W), jnp.float32),
    mesh=_MESH,
    compiler_params=pltpu.CompilerParams(use_tc_tiling_on_sc=False),
    scratch_types=[
        pltpu.VMEM((NCHUNK, CHUNK), jnp.int32),
        pltpu.VMEM((CHUNK, DEG_W), jnp.float32),
        pltpu.VMEM_SHARED((NP, DEG_W), jnp.float32),
    ],
)
def _deg(dst_hbm, ones_n_hbm, zeros_n_hbm, ones_c_hbm, out_hbm,
         idx_d, ones_v, acc):
  cid = lax.axis_index("c")
  sid = lax.axis_index("s")
  wid = cid * NS + sid
  r0 = sid * ROWS_PT

  @pl.when(cid == 0)
  def _():
    pltpu.sync_copy(ones_n_hbm.at[pl.ds(r0, ROWS_PT)],
                    acc.at[pl.ds(r0, ROWS_PT)])

  @pl.when(cid != 0)
  def _():
    pltpu.sync_copy(zeros_n_hbm.at[pl.ds(r0, ROWS_PT)],
                    acc.at[pl.ds(r0, ROWS_PT)])

  pltpu.sync_copy(dst_hbm.at[wid], idx_d)
  pltpu.sync_copy(ones_c_hbm, ones_v)
  plsc.subcore_barrier()

  @pl.loop(0, NCHUNK)
  def _(j):
    pltpu.sync_copy(ones_v, acc.at[idx_d.at[j]], add=True)

  plsc.subcore_barrier()
  pltpu.sync_copy(acc.at[pl.ds(r0, ROWS_PT)],
                  out_hbm.at[cid, pl.ds(r0, ROWS_PT)])


def _tc_first(deg_ref, x_ref, w1_ref, g1_ref, dinv_ref):
  deg = deg_ref[0, :N, 0:1] + deg_ref[1, :N, 0:1]
  dinv = lax.rsqrt(deg)
  h1 = jnp.dot(x_ref[...], w1_ref[...], preferred_element_type=jnp.float32)
  g1_ref[:N] = h1 * dinv
  g1_ref[N:] = jnp.zeros((NP - N, 32), jnp.float32)
  dinv_ref[...] = dinv


def _tc_mid(s1_ref, dinv_ref, b1_ref, g2_ref):
  dinv = dinv_ref[...]
  t = (s1_ref[0, :N] + s1_ref[1, :N]) * dinv + b1_ref[...]
  h = jnp.maximum(t, 0.0)
  g2_ref[:N] = h * dinv
  g2_ref[N:] = jnp.zeros((NP - N, 32), jnp.float32)


def _tc_last(s2_ref, dinv_ref, w2_ref, b2_ref, out_ref):
  t = (s2_ref[0, :N] + s2_ref[1, :N]) * dinv_ref[...]
  out_ref[...] = (
      jnp.dot(t, w2_ref[...], preferred_element_type=jnp.float32)
      + b2_ref[...]
  )


def kernel(x, edge_index, W1, b1, W2, b2):
  src = edge_index[0].astype(jnp.int32).reshape(NW, NCHUNK, CHUNK)
  dst = edge_index[1].astype(jnp.int32).reshape(NW, NCHUNK, CHUNK)

  zeros32 = jnp.zeros((NP, 32), jnp.float32)
  ones_n = jnp.ones((NP, DEG_W), jnp.float32)
  zeros_n = jnp.zeros((NP, DEG_W), jnp.float32)
  ones_c = jnp.ones((CHUNK, DEG_W), jnp.float32)

  deg_p = _deg(dst, ones_n, zeros_n, ones_c)

  g1, dinv = pl.pallas_call(
      _tc_first,
      out_shape=[
          jax.ShapeDtypeStruct((NP, 32), jnp.float32),
          jax.ShapeDtypeStruct((N, 1), jnp.float32),
      ],
  )(deg_p, x, W1)

  s1 = _agg32(src, dst, g1, zeros32)

  g2 = pl.pallas_call(
      _tc_mid,
      out_shape=jax.ShapeDtypeStruct((NP, 32), jnp.float32),
  )(s1, dinv, b1.reshape(1, 32))

  s2 = _agg32(src, dst, g2, zeros32)

  return pl.pallas_call(
      _tc_last,
      out_shape=jax.ShapeDtypeStruct((N, 128), jnp.float32),
  )(s2, dinv, W2, b2.reshape(1, 128))

# --- scband reference (transcript-rebuilt; emitter-appended) ---
"""Pipeline reference for scband-gaeconv-12025908429198 (READ-ONLY COPY).

The authoritative reference and input builder live on the scoring server;
editing this copy changes nothing except your own understanding.
"""

import jax, jax.numpy as jnp
import numpy as np

N_NODES = 10000
N_EDGES = 320000
D_IN = 128
D_HIDDEN = 32
D_OUT = 128


def setup_inputs(seed: int = 0) -> dict:
    key = jax.random.key(seed)
    k1, k2, k3, k4, k5, k6 = jax.random.split(key, 6)
    x = jax.random.normal(k1, (N_NODES, D_IN), dtype=jnp.float32)
    edge_index = jax.random.randint(k2, (2, N_EDGES), 0, N_NODES, dtype=jnp.int64)
    W1 = jax.random.normal(k3, (D_IN, D_HIDDEN), dtype=jnp.float32) * (1.0 / np.sqrt(D_IN))
    b1 = jnp.zeros((D_HIDDEN,), dtype=jnp.float32)
    W2 = jax.random.normal(k4, (D_HIDDEN, D_OUT), dtype=jnp.float32) * (1.0 / np.sqrt(D_HIDDEN))
    b2 = jnp.zeros((D_OUT,), dtype=jnp.float32)
    return {"x": x, "edge_index": edge_index, "W1": W1, "b1": b1, "W2": W2, "b2": b2}


def _gcn_layer(x, src, dst, norm, W, b):
    # GCNConv: linear transform, then normalized scatter-add aggregation, then bias
    h = x @ W
    msg = h[src] * norm[:, None]
    out = jax.ops.segment_sum(msg, dst, num_segments=x.shape[0])
    return out + b


def reference(x, edge_index, W1, b1, W2, b2):
    N = x.shape[0]
    # add self loops
    loops = jnp.arange(N, dtype=edge_index.dtype)
    src = jnp.concatenate([edge_index[0], loops])
    dst = jnp.concatenate([edge_index[1], loops])
    # symmetric normalization D^{-1/2} (A+I) D^{-1/2}
    deg = jax.ops.segment_sum(jnp.ones(src.shape[0], dtype=x.dtype), dst, num_segments=N)
    dinv = jnp.where(deg > 0, jax.lax.rsqrt(jnp.maximum(deg, 1e-12)), 0.0)
    norm = dinv[src] * dinv[dst]
    h = jax.nn.relu(_gcn_layer(x, src, dst, norm, W1, b1))
    return _gcn_layer(h, src, dst, norm, W2, b2)

if __name__ == "__main__":
    import jax
    _d = setup_inputs()
    print(jax.jit(kernel)(*tuple(_d.values())))

</pallas_src>

<mosaic_0001>
#map = affine_map<(d0, d1) -> (0, 0, 0)>
#map1 = affine_map<(d0, d1) -> (0, 0)>
module attributes {stable_mosaic.version = 14 : i64} {
  func.func @_deg(%arg0: i32, %arg1: i32, %arg2: memref<32x125x80xi32, #tpu.memory_space<hbm>>, %arg3: memref<10240x8xf32, #tpu.memory_space<hbm>>, %arg4: memref<10240x8xf32, #tpu.memory_space<hbm>>, %arg5: memref<80x8xf32, #tpu.memory_space<hbm>>, %arg6: memref<2x10240x8xf32, #tpu.memory_space<hbm>>, %arg7: memref<125x80xi32, #tpu.memory_space<vmem>>, %arg8: memref<80x8xf32, #tpu.memory_space<vmem>>, %arg9: memref<10240x8xf32, #tpu.memory_space<vmem_shared>>) attributes {dimension_semantics = [#tpu.dimension_semantics<core_parallel>, #tpu.dimension_semantics<subcore_parallel>], iteration_bounds = array<i64: 2, 16>, scalar_prefetch = 0 : i64, scratch_operands = 3 : i64, tpu.core_type = #tpu.core_type<sc_vector_subcore>, window_params = [{transform_indices = #map}, {transform_indices = #map1}, {transform_indices = #map1}, {transform_indices = #map1}, {transform_indices = #map}]} {
    %mul3A = arith.constant 16 : i32
    %mul3A_0 = arith.muli %arg0, %mul3A : i32
    %add3A = arith.addi %mul3A_0, %arg1 : i32
    %mul3A_1 = arith.constant 640 : i32
    %mul3A_2 = arith.muli %arg1, %mul3A_1 : i32
    %eq3A = arith.constant 0 : i32
    %eq3A_3 = arith.cmpi eq, %arg0, %eq3A : i32
    %convert_element_type3A = arith.extui %eq3A_3 : i1 to i32
    %cond3A = arith.constant 0 : i32
    %cond3A_4 = arith.cmpi ne, %convert_element_type3A, %cond3A : i32
    scf.if %cond3A_4 {
      "tpu.region"() ({
        %run_scoped3A = tpu.sem_alloc : memref<!tpu.dma_semaphore, #tpu.memory_space<semaphore_mem>>
        %dma_start3A = arith.constant 0 : i32
        %dma_start3A_14 = tpu.memref_slice %arg9[%mul3A_2, %dma_start3A] : memref<10240x8xf32, #tpu.memory_space<vmem_shared>> -> memref<640x8xf32, #tpu.memory_space<vmem_shared>>
        %dma_start3A_15 = arith.constant 0 : i32
        %dma_start3A_16 = tpu.memref_slice %arg3[%mul3A_2, %dma_start3A_15] : memref<10240x8xf32, #tpu.memory_space<hbm>> -> memref<640x8xf32, #tpu.memory_space<hbm>>
        tpu.enqueue_dma source(%dma_start3A_16 : memref<640x8xf32, #tpu.memory_space<hbm>>) target(%dma_start3A_14 : memref<640x8xf32, #tpu.memory_space<vmem_shared>>) target_semaphore(%run_scoped3A : memref<!tpu.dma_semaphore, #tpu.memory_space<semaphore_mem>>)
        %dma_wait3A = arith.constant 0 : i32
        %dma_wait3A_17 = tpu.memref_slice %arg9[%mul3A_2, %dma_wait3A] : memref<10240x8xf32, #tpu.memory_space<vmem_shared>> -> memref<640x8xf32, #tpu.memory_space<vmem_shared>>
        %dma_wait3A_18 = arith.constant 0 : i32
        %dma_wait3A_19 = tpu.memref_slice %arg3[%mul3A_2, %dma_wait3A_18] : memref<10240x8xf32, #tpu.memory_space<hbm>> -> memref<640x8xf32, #tpu.memory_space<hbm>>
        tpu.wait_dma2 semaphore(%run_scoped3A : memref<!tpu.dma_semaphore, #tpu.memory_space<semaphore_mem>>) src(%dma_wait3A_19 : memref<640x8xf32, #tpu.memory_space<hbm>>) dst(%dma_wait3A_17 : memref<640x8xf32, #tpu.memory_space<vmem_shared>>)
        tpu.yield
      }) : () -> ()
    } else {
    }
    %ne3A = arith.constant 0 : i32
    %ne3A_5 = arith.cmpi ne, %arg0, %ne3A : i32
    %convert_element_type3A_6 = arith.extui %ne3A_5 : i1 to i32
    %cond3A_7 = arith.constant 0 : i32
    %cond3A_8 = arith.cmpi ne, %convert_element_type3A_6, %cond3A_7 : i32
    scf.if %cond3A_8 {
      "tpu.region"() ({
        %run_scoped3A = tpu.sem_alloc : memref<!tpu.dma_semaphore, #tpu.memory_space<semaphore_mem>>
        %dma_start3A = arith.constant 0 : i32
        %dma_start3A_14 = tpu.memref_slice %arg9[%mul3A_2, %dma_start3A] : memref<10240x8xf32, #tpu.memory_space<vmem_shared>> -> memref<640x8xf32, #tpu.memory_space<vmem_shared>>
        %dma_start3A_15 = arith.constant 0 : i32
        %dma_start3A_16 = tpu.memref_slice %arg4[%mul3A_2, %dma_start3A_15] : memref<10240x8xf32, #tpu.memory_space<hbm>> -> memref<640x8xf32, #tpu.memory_space<hbm>>
        tpu.enqueue_dma source(%dma_start3A_16 : memref<640x8xf32, #tpu.memory_space<hbm>>) target(%dma_start3A_14 : memref<640x8xf32, #tpu.memory_space<vmem_shared>>) target_semaphore(%run_scoped3A : memref<!tpu.dma_semaphore, #tpu.memory_space<semaphore_mem>>)
        %dma_wait3A = arith.constant 0 : i32
        %dma_wait3A_17 = tpu.memref_slice %arg9[%mul3A_2, %dma_wait3A] : memref<10240x8xf32, #tpu.memory_space<vmem_shared>> -> memref<640x8xf32, #tpu.memory_space<vmem_shared>>
        %dma_wait3A_18 = arith.constant 0 : i32
        %dma_wait3A_19 = tpu.memref_slice %arg4[%mul3A_2, %dma_wait3A_18] : memref<10240x8xf32, #tpu.memory_space<hbm>> -> memref<640x8xf32, #tpu.memory_space<hbm>>
        tpu.wait_dma2 semaphore(%run_scoped3A : memref<!tpu.dma_semaphore, #tpu.memory_space<semaphore_mem>>) src(%dma_wait3A_19 : memref<640x8xf32, #tpu.memory_space<hbm>>) dst(%dma_wait3A_17 : memref<640x8xf32, #tpu.memory_space<vmem_shared>>)
        tpu.yield
      }) : () -> ()
    } else {
    }
    "tpu.region"() ({
      %run_scoped3A = tpu.sem_alloc : memref<!tpu.dma_semaphore, #tpu.memory_space<semaphore_mem>>
      %dma_start3A = arith.constant 0 : i32
      %dma_start3A_14 = arith.constant 0 : i32
      %dma_start3A_15 = tpu.memref_slice %arg2[%add3A, %dma_start3A, %dma_start3A_14] : memref<32x125x80xi32, #tpu.memory_space<hbm>> -> memref<1x125x80xi32, #tpu.memory_space<hbm>>
      %dma_start3A_16 = tpu.memref_squeeze %dma_start3A_15 : memref<1x125x80xi32, #tpu.memory_space<hbm>> -> memref<125x80xi32, #tpu.memory_space<hbm>>
      %dma_start3A_17 = arith.constant 0 : i32
      %dma_start3A_18 = arith.constant 0 : i32
      %dma_start3A_19 = tpu.memref_slice %arg2[%add3A, %dma_start3A_17, %dma_start3A_18] : memref<32x125x80xi32, #tpu.memory_space<hbm>> -> memref<1x125x80xi32, #tpu.memory_space<hbm>>
      %dma_start3A_20 = tpu.memref_squeeze %dma_start3A_19 : memref<1x125x80xi32, #tpu.memory_space<hbm>> -> memref<125x80xi32, #tpu.memory_space<hbm>>
      tpu.enqueue_dma source(%dma_start3A_20 : memref<125x80xi32, #tpu.memory_space<hbm>>) target(%arg7 : memref<125x80xi32, #tpu.memory_space<vmem>>) target_semaphore(%run_scoped3A : memref<!tpu.dma_semaphore, #tpu.memory_space<semaphore_mem>>)
      %dma_wait3A = arith.constant 0 : i32
      %dma_wait3A_21 = arith.constant 0 : i32
      %dma_wait3A_22 = tpu.memref_slice %arg2[%add3A, %dma_wait3A, %dma_wait3A_21] : memref<32x125x80xi32, #tpu.memory_space<hbm>> -> memref<1x125x80xi32, #tpu.memory_space<hbm>>
      %dma_wait3A_23 = tpu.memref_squeeze %dma_wait3A_22 : memref<1x125x80xi32, #tpu.memory_space<hbm>> -> memref<125x80xi32, #tpu.memory_space<hbm>>
      %dma_wait3A_24 = arith.constant 0 : i32
      %dma_wait3A_25 = arith.constant 0 : i32
      %dma_wait3A_26 = tpu.memref_slice %arg2[%add3A, %dma_wait3A_24, %dma_wait3A_25] : memref<32x125x80xi32, #tpu.memory_space<hbm>> -> memref<1x125x80xi32, #tpu.memory_space<hbm>>
      %dma_wait3A_27 = tpu.memref_squeeze %dma_wait3A_26 : memref<1x125x80xi32, #tpu.memory_space<hbm>> -> memref<125x80xi32, #tpu.memory_space<hbm>>
      tpu.wait_dma2 semaphore(%run_scoped3A : memref<!tpu.dma_semaphore, #tpu.memory_space<semaphore_mem>>) src(%dma_wait3A_27 : memref<125x80xi32, #tpu.memory_space<hbm>>) dst(%arg7 : memref<125x80xi32, #tpu.memory_space<vmem>>)
      tpu.yield
    }) : () -> ()
    "tpu.region"() ({
      %run_scoped3A = tpu.sem_alloc : memref<!tpu.dma_semaphore, #tpu.memory_space<semaphore_mem>>
      tpu.enqueue_dma source(%arg5 : memref<80x8xf32, #tpu.memory_space<hbm>>) target(%arg8 : memref<80x8xf32, #tpu.memory_space<vmem>>) target_semaphore(%run_scoped3A : memref<!tpu.dma_semaphore, #tpu.memory_space<semaphore_mem>>)
      tpu.wait_dma2 semaphore(%run_scoped3A : memref<!tpu.dma_semaphore, #tpu.memory_space<semaphore_mem>>) src(%arg5 : memref<80x8xf32, #tpu.memory_space<hbm>>) dst(%arg8 : memref<80x8xf32, #tpu.memory_space<vmem>>)
      tpu.yield
    }) : () -> ()
    %barrier3A = arith.constant 0 : index
    tpu.barrier barrier_id(%barrier3A)
    %scan3A = arith.constant 0 : i32
    %scan3A_9 = arith.constant 125 : i32
    %scan3A_10 = arith.addi %scan3A, %scan3A_9 : i32
    %scan3A_11 = arith.constant 1 : i32
    scf.for %scan3A_14 = %scan3A to %scan3A_10 step %scan3A_11  : i32 {
      %mul3A_15 = arith.constant 1 : i32
      %mul3A_16 = arith.muli %scan3A_14, %mul3A_15 : i32
      %add3A_17 = arith.constant 0 : i32
      %add3A_18 = arith.addi %add3A_17, %mul3A_16 : i32
      "tpu.region"() ({
        %run_scoped3A = tpu.sem_alloc : memref<!tpu.dma_semaphore, #tpu.memory_space<semaphore_mem>>
        %dma_start3A = arith.constant 0 : i32
        %dma_start3A_19 = tpu.memref_slice %arg7[%add3A_18, %dma_start3A] : memref<125x80xi32, #tpu.memory_space<vmem>> -> memref<1x80xi32, #tpu.memory_space<vmem>>
        %dma_start3A_20 = tpu.memref_squeeze %dma_start3A_19 : memref<1x80xi32, #tpu.memory_space<vmem>> -> memref<80xi32, #tpu.memory_space<vmem>>
        %dma_start3A_21 = arith.constant 0 : i32
        %dma_start3A_22 = arith.constant 0 : i32
        %dma_start3A_23 = tpu.memref_slice %arg9[%dma_start3A_21, %dma_start3A_22] : memref<10240x8xf32, #tpu.memory_space<vmem_shared>> -> memref<10240x8xf32, #tpu.memory_space<vmem_shared>>
        tpu.enqueue_indirect_dma source(%arg8 : memref<80x8xf32, #tpu.memory_space<vmem>>) target(%dma_start3A_23 : memref<10240x8xf32, #tpu.memory_space<vmem_shared>>) offsets(%dma_start3A_20 : memref<80xi32, #tpu.memory_space<vmem>>) semaphore(%run_scoped3A : memref<!tpu.dma_semaphore, #tpu.memory_space<semaphore_mem>>) {add = true}
        %dma_wait3A = arith.constant 0 : i32
        %dma_wait3A_24 = tpu.memref_slice %arg7[%add3A_18, %dma_wait3A] : memref<125x80xi32, #tpu.memory_space<vmem>> -> memref<1x80xi32, #tpu.memory_space<vmem>>
        %dma_wait3A_25 = tpu.memref_squeeze %dma_wait3A_24 : memref<1x80xi32, #tpu.memory_space<vmem>> -> memref<80xi32, #tpu.memory_space<vmem>>
        %dma_wait3A_26 = arith.constant 0 : i32
        %dma_wait3A_27 = arith.constant 0 : i32
        %dma_wait3A_28 = tpu.memref_slice %arg9[%dma_wait3A_26, %dma_wait3A_27] : memref<10240x8xf32, #tpu.memory_space<vmem_shared>> -> memref<10240x8xf32, #tpu.memory_space<vmem_shared>>
        tpu.wait_indirect_dma semaphore(%run_scoped3A : memref<!tpu.dma_semaphore, #tpu.memory_space<semaphore_mem>>) src(%arg8 : memref<80x8xf32, #tpu.memory_space<vmem>>) dst(%dma_wait3A_28 : memref<10240x8xf32, #tpu.memory_space<vmem_shared>>)
        tpu.yield
      }) : () -> ()
    }
    %scan3A_12 = arith.constant 125 : i32
    %barrier3A_13 = arith.constant 0 : index
    tpu.barrier barrier_id(%barrier3A_13)
    "tpu.region"() ({
      %run_scoped3A = tpu.sem_alloc : memref<!tpu.dma_semaphore, #tpu.memory_space<semaphore_mem>>
      %dma_start3A = arith.constant 0 : i32
      %dma_start3A_14 = tpu.memref_slice %arg6[%arg0, %mul3A_2, %dma_start3A] : memref<2x10240x8xf32, #tpu.memory_space<hbm>> -> memref<1x640x8xf32, #tpu.memory_space<hbm>>
      %dma_start3A_15 = tpu.memref_squeeze %dma_start3A_14 : memref<1x640x8xf32, #tpu.memory_space<hbm>> -> memref<640x8xf32, #tpu.memory_space<hbm>>
      %dma_start3A_16 = arith.constant 0 : i32
      %dma_start3A_17 = tpu.memref_slice %arg9[%mul3A_2, %dma_start3A_16] : memref<10240x8xf32, #tpu.memory_space<vmem_shared>> -> memref<640x8xf32, #tpu.memory_space<vmem_shared>>
      tpu.enqueue_dma source(%dma_start3A_17 : memref<640x8xf32, #tpu.memory_space<vmem_shared>>) target(%dma_start3A_15 : memref<640x8xf32, #tpu.memory_space<hbm>>) target_semaphore(%run_scoped3A : memref<!tpu.dma_semaphore, #tpu.memory_space<semaphore_mem>>)
      %dma_wait3A = arith.constant 0 : i32
      %dma_wait3A_18 = tpu.memref_slice %arg6[%arg0, %mul3A_2, %dma_wait3A] : memref<2x10240x8xf32, #tpu.memory_space<hbm>> -> memref<1x640x8xf32, #tpu.memory_space<hbm>>
      %dma_wait3A_19 = tpu.memref_squeeze %dma_wait3A_18 : memref<1x640x8xf32, #tpu.memory_space<hbm>> -> memref<640x8xf32, #tpu.memory_space<hbm>>
      %dma_wait3A_20 = arith.constant 0 : i32
      %dma_wait3A_21 = tpu.memref_slice %arg9[%mul3A_2, %dma_wait3A_20] : memref<10240x8xf32, #tpu.memory_space<vmem_shared>> -> memref<640x8xf32, #tpu.memory_space<vmem_shared>>
      tpu.wait_dma2 semaphore(%run_scoped3A : memref<!tpu.dma_semaphore, #tpu.memory_space<semaphore_mem>>) src(%dma_wait3A_21 : memref<640x8xf32, #tpu.memory_space<vmem_shared>>) dst(%dma_wait3A_19 : memref<640x8xf32, #tpu.memory_space<hbm>>)
      tpu.yield
    }) : () -> ()
    return
  }
}

#map = affine_map<(d0, d1) -> (0, 0, 0)>
#map1 = affine_map<(d0, d1) -> (0, 0)>
module attributes {stable_mosaic.version = 14 : i64} {
  func.func @agg(%arg0: i32, %arg1: i32, %arg2: memref<32x125x80xi32, #tpu.memory_space<hbm>>, %arg3: memref<32x125x80xi32, #tpu.memory_space<hbm>>, %arg4: memref<10240x32xf32, #tpu.memory_space<hbm>>, %arg5: memref<10240x32xf32, #tpu.memory_space<hbm>>, %arg6: memref<2x10240x32xf32, #tpu.memory_space<hbm>>, %arg7: memref<125x80xi32, #tpu.memory_space<vmem>>, %arg8: memref<125x80xi32, #tpu.memory_space<vmem>>, %arg9: memref<80x32xf32, #tpu.memory_space<vmem>>, %arg10: memref<80x32xf32, #tpu.memory_space<vmem>>, %arg11: memref<10240x32xf32, #tpu.memory_space<vmem_shared>>, %arg12: memref<!tpu.dma_semaphore, #tpu.memory_space<semaphore_mem>>, %arg13: memref<!tpu.dma_semaphore, #tpu.memory_space<semaphore_mem>>) attributes {dimension_semantics = [#tpu.dimension_semantics<core_parallel>, #tpu.dimension_semantics<subcore_parallel>], iteration_bounds = array<i64: 2, 16>, scalar_prefetch = 0 : i64, scratch_operands = 7 : i64, tpu.core_type = #tpu.core_type<sc_vector_subcore>, window_params = [{transform_indices = #map}, {transform_indices = #map}, {transform_indices = #map1}, {transform_indices = #map1}, {transform_indices = #map}]} {
    %mul3A = arith.constant 16 : i32
    %mul3A_0 = arith.muli %arg0, %mul3A : i32
    %add3A = arith.addi %mul3A_0, %arg1 : i32
    %mul3A_1 = arith.constant 640 : i32
    %mul3A_2 = arith.muli %arg1, %mul3A_1 : i32
    %eq3A = arith.constant 0 : i32
    %eq3A_3 = arith.cmpi eq, %arg0, %eq3A : i32
    %convert_element_type3A = arith.extui %eq3A_3 : i1 to i32
    %cond3A = arith.constant 0 : i32
    %cond3A_4 = arith.cmpi ne, %convert_element_type3A, %cond3A : i32
    scf.if %cond3A_4 {
      "tpu.region"() ({
        %run_scoped3A_26 = tpu.sem_alloc : memref<!tpu.dma_semaphore, #tpu.memory_space<semaphore_mem>>
        %dma_start3A_27 = arith.constant 0 : i32
        %dma_start3A_28 = tpu.memref_slice %arg11[%mul3A_2, %dma_start3A_27] : memref<10240x32xf32, #tpu.memory_space<vmem_shared>> -> memref<640x32xf32, #tpu.memory_space<vmem_shared>>
        %dma_start3A_29 = arith.constant 0 : i32
        %dma_start3A_30 = tpu.memref_slice %arg4[%mul3A_2, %dma_start3A_29] : memref<10240x32xf32, #tpu.memory_space<hbm>> -> memref<640x32xf32, #tpu.memory_space<hbm>>
        tpu.enqueue_dma source(%dma_start3A_30 : memref<640x32xf32, #tpu.memory_space<hbm>>) target(%dma_start3A_28 : memref<640x32xf32, #tpu.memory_space<vmem_shared>>) target_semaphore(%run_scoped3A_26 : memref<!tpu.dma_semaphore, #tpu.memory_space<semaphore_mem>>)
        %dma_wait3A_31 = arith.constant 0 : i32
        %dma_wait3A_32 = tpu.memref_slice %arg11[%mul3A_2, %dma_wait3A_31] : memref<10240x32xf32, #tpu.memory_space<vmem_shared>> -> memref<640x32xf32, #tpu.memory_space<vmem_shared>>
        %dma_wait3A_33 = arith.constant 0 : i32
        %dma_wait3A_34 = tpu.memref_slice %arg4[%mul3A_2, %dma_wait3A_33] : memref<10240x32xf32, #tpu.memory_space<hbm>> -> memref<640x32xf32, #tpu.memory_space<hbm>>
        tpu.wait_dma2 semaphore(%run_scoped3A_26 : memref<!tpu.dma_semaphore, #tpu.memory_space<semaphore_mem>>) src(%dma_wait3A_34 : memref<640x32xf32, #tpu.memory_space<hbm>>) dst(%dma_wait3A_32 : memref<640x32xf32, #tpu.memory_space<vmem_shared>>)
        tpu.yield
      }) : () -> ()
    } else {
    }
    %ne3A = arith.constant 0 : i32
    %ne3A_5 = arith.cmpi ne, %arg0, %ne3A : i32
    %convert_element_type3A_6 = arith.extui %ne3A_5 : i1 to i32
    %cond3A_7 = arith.constant 0 : i32
    %cond3A_8 = arith.cmpi ne, %convert_element_type3A_6, %cond3A_7 : i32
    scf.if %cond3A_8 {
      "tpu.region"() ({
        %run_scoped3A_26 = tpu.sem_alloc : memref<!tpu.dma_semaphore, #tpu.memory_space<semaphore_mem>>
        %dma_start3A_27 = arith.constant 0 : i32
        %dma_start3A_28 = tpu.memref_slice %arg11[%mul3A_2, %dma_start3A_27] : memref<10240x32xf32, #tpu.memory_space<vmem_shared>> -> memref<640x32xf32, #tpu.memory_space<vmem_shared>>
        %dma_start3A_29 = arith.constant 0 : i32
        %dma_start3A_30 = tpu.memref_slice %arg5[%mul3A_2, %dma_start3A_29] : memref<10240x32xf32, #tpu.memory_space<hbm>> -> memref<640x32xf32, #tpu.memory_space<hbm>>
        tpu.enqueue_dma source(%dma_start3A_30 : memref<640x32xf32, #tpu.memory_space<hbm>>) target(%dma_start3A_28 : memref<640x32xf32, #tpu.memory_space<vmem_shared>>) target_semaphore(%run_scoped3A_26 : memref<!tpu.dma_semaphore, #tpu.memory_space<semaphore_mem>>)
        %dma_wait3A_31 = arith.constant 0 : i32
        %dma_wait3A_32 = tpu.memref_slice %arg11[%mul3A_2, %dma_wait3A_31] : memref<10240x32xf32, #tpu.memory_space<vmem_shared>> -> memref<640x32xf32, #tpu.memory_space<vmem_shared>>
        %dma_wait3A_33 = arith.constant 0 : i32
        %dma_wait3A_34 = tpu.memref_slice %arg5[%mul3A_2, %dma_wait3A_33] : memref<10240x32xf32, #tpu.memory_space<hbm>> -> memref<640x32xf32, #tpu.memory_space<hbm>>
        tpu.wait_dma2 semaphore(%run_scoped3A_26 : memref<!tpu.dma_semaphore, #tpu.memory_space<semaphore_mem>>) src(%dma_wait3A_34 : memref<640x32xf32, #tpu.memory_space<hbm>>) dst(%dma_wait3A_32 : memref<640x32xf32, #tpu.memory_space<vmem_shared>>)
        tpu.yield
      }) : () -> ()
    } else {
    }
    "tpu.region"() ({
      %run_scoped3A_26 = tpu.sem_alloc : memref<!tpu.dma_semaphore, #tpu.memory_space<semaphore_mem>>
      %dma_start3A_27 = arith.constant 0 : i32
      %dma_start3A_28 = arith.constant 0 : i32
      %dma_start3A_29 = tpu.memref_slice %arg2[%add3A, %dma_start3A_27, %dma_start3A_28] : memref<32x125x80xi32, #tpu.memory_space<hbm>> -> memref<1x125x80xi32, #tpu.memory_space<hbm>>
      %dma_start3A_30 = tpu.memref_squeeze %dma_start3A_29 : memref<1x125x80xi32, #tpu.memory_space<hbm>> -> memref<125x80xi32, #tpu.memory_space<hbm>>
      %dma_start3A_31 = arith.constant 0 : i32
      %dma_start3A_32 = arith.constant 0 : i32
      %dma_start3A_33 = tpu.memref_slice %arg2[%add3A, %dma_start3A_31, %dma_start3A_32] : memref<32x125x80xi32, #tpu.memory_space<hbm>> -> memref<1x125x80xi32, #tpu.memory_space<hbm>>
      %dma_start3A_34 = tpu.memref_squeeze %dma_start3A_33 : memref<1x125x80xi32, #tpu.memory_space<hbm>> -> memref<125x80xi32, #tpu.memory_space<hbm>>
      tpu.enqueue_dma source(%dma_start3A_34 : memref<125x80xi32, #tpu.memory_space<hbm>>) target(%arg7 : memref<125x80xi32, #tpu.memory_space<vmem>>) target_semaphore(%run_scoped3A_26 : memref<!tpu.dma_semaphore, #tpu.memory_space<semaphore_mem>>)
      %dma_wait3A_35 = arith.constant 0 : i32
      %dma_wait3A_36 = arith.constant 0 : i32
      %dma_wait3A_37 = tpu.memref_slice %arg2[%add3A, %dma_wait3A_35, %dma_wait3A_36] : memref<32x125x80xi32, #tpu.memory_space<hbm>> -> memref<1x125x80xi32, #tpu.memory_space<hbm>>
      %dma_wait3A_38 = tpu.memref_squeeze %dma_wait3A_37 : memref<1x125x80xi32, #tpu.memory_space<hbm>> -> memref<125x80xi32, #tpu.memory_space<hbm>>
      %dma_wait3A_39 = arith.constant 0 : i32
      %dma_wait3A_40 = arith.constant 0 : i32
      %dma_wait3A_41 = tpu.memref_slice %arg2[%add3A, %dma_wait3A_39, %dma_wait3A_40] : memref<32x125x80xi32, #tpu.memory_space<hbm>> -> memref<1x125x80xi32, #tpu.memory_space<hbm>>
      %dma_wait3A_42 = tpu.memref_squeeze %dma_wait3A_41 : memref<1x125x80xi32, #tpu.memory_space<hbm>> -> memref<125x80xi32, #tpu.memory_space<hbm>>
      tpu.wait_dma2 semaphore(%run_scoped3A_26 : memref<!tpu.dma_semaphore, #tpu.memory_space<semaphore_mem>>) src(%dma_wait3A_42 : memref<125x80xi32, #tpu.memory_space<hbm>>) dst(%arg7 : memref<125x80xi32, #tpu.memory_space<vmem>>)
      tpu.yield
    }) : () -> ()
    "tpu.region"() ({
      %run_scoped3A_26 = tpu.sem_alloc : memref<!tpu.dma_semaphore, #tpu.memory_space<semaphore_mem>>
      %dma_start3A_27 = arith.constant 0 : i32
      %dma_start3A_28 = arith.constant 0 : i32
      %dma_start3A_29 = tpu.memref_slice %arg3[%add3A, %dma_start3A_27, %dma_start3A_28] : memref<32x125x80xi32, #tpu.memory_space<hbm>> -> memref<1x125x80xi32, #tpu.memory_space<hbm>>
      %dma_start3A_30 = tpu.memref_squeeze %dma_start3A_29 : memref<1x125x80xi32, #tpu.memory_space<hbm>> -> memref<125x80xi32, #tpu.memory_space<hbm>>
      %dma_start3A_31 = arith.constant 0 : i32
      %dma_start3A_32 = arith.constant 0 : i32
      %dma_start3A_33 = tpu.memref_slice %arg3[%add3A, %dma_start3A_31, %dma_start3A_32] : memref<32x125x80xi32, #tpu.memory_space<hbm>> -> memref<1x125x80xi32, #tpu.memory_space<hbm>>
      %dma_start3A_34 = tpu.memref_squeeze %dma_start3A_33 : memref<1x125x80xi32, #tpu.memory_space<hbm>> -> memref<125x80xi32, #tpu.memory_space<hbm>>
      tpu.enqueue_dma source(%dma_start3A_34 : memref<125x80xi32, #tpu.memory_space<hbm>>) target(%arg8 : memref<125x80xi32, #tpu.memory_space<vmem>>) target_semaphore(%run_scoped3A_26 : memref<!tpu.dma_semaphore, #tpu.memory_space<semaphore_mem>>)
      %dma_wait3A_35 = arith.constant 0 : i32
      %dma_wait3A_36 = arith.constant 0 : i32
      %dma_wait3A_37 = tpu.memref_slice %arg3[%add3A, %dma_wait3A_35, %dma_wait3A_36] : memref<32x125x80xi32, #tpu.memory_space<hbm>> -> memref<1x125x80xi32, #tpu.memory_space<hbm>>
      %dma_wait3A_38 = tpu.memref_squeeze %dma_wait3A_37 : memref<1x125x80xi32, #tpu.memory_space<hbm>> -> memref<125x80xi32, #tpu.memory_space<hbm>>
      %dma_wait3A_39 = arith.constant 0 : i32
      %dma_wait3A_40 = arith.constant 0 : i32
      %dma_wait3A_41 = tpu.memref_slice %arg3[%add3A, %dma_wait3A_39, %dma_wait3A_40] : memref<32x125x80xi32, #tpu.memory_space<hbm>> -> memref<1x125x80xi32, #tpu.memory_space<hbm>>
      %dma_wait3A_42 = tpu.memref_squeeze %dma_wait3A_41 : memref<1x125x80xi32, #tpu.memory_space<hbm>> -> memref<125x80xi32, #tpu.memory_space<hbm>>
      tpu.wait_dma2 semaphore(%run_scoped3A_26 : memref<!tpu.dma_semaphore, #tpu.memory_space<semaphore_mem>>) src(%dma_wait3A_42 : memref<125x80xi32, #tpu.memory_space<hbm>>) dst(%arg8 : memref<125x80xi32, #tpu.memory_space<vmem>>)
      tpu.yield
    }) : () -> ()
    %barrier3A = arith.constant 0 : index
    tpu.barrier barrier_id(%barrier3A)
    %scan3A = arith.constant 0 : i32
    %scan3A_9 = arith.constant 62 : i32
    %scan3A_10 = arith.addi %scan3A, %scan3A_9 : i32
    %scan3A_11 = arith.constant 1 : i32
    scf.for %scan3A_26 = %scan3A to %scan3A_10 step %scan3A_11  : i32 {
      %mul3A_27 = arith.constant 2 : i32
      %mul3A_28 = arith.muli %scan3A_26, %mul3A_27 : i32
      %add3A_29 = arith.constant 0 : i32
      %add3A_30 = arith.addi %add3A_29, %mul3A_28 : i32
      %dma_start3A_31 = arith.constant 0 : i32
      %dma_start3A_32 = tpu.memref_slice %arg7[%add3A_30, %dma_start3A_31] : memref<125x80xi32, #tpu.memory_space<vmem>> -> memref<1x80xi32, #tpu.memory_space<vmem>>
      %dma_start3A_33 = tpu.memref_squeeze %dma_start3A_32 : memref<1x80xi32, #tpu.memory_space<vmem>> -> memref<80xi32, #tpu.memory_space<vmem>>
      %dma_start3A_34 = arith.constant 0 : i32
      %dma_start3A_35 = arith.constant 0 : i32
      %dma_start3A_36 = tpu.memref_slice %arg4[%dma_start3A_34, %dma_start3A_35] : memref<10240x32xf32, #tpu.memory_space<hbm>> -> memref<10240x32xf32, #tpu.memory_space<hbm>>
      tpu.enqueue_indirect_dma source(%dma_start3A_36 : memref<10240x32xf32, #tpu.memory_space<hbm>>) target(%arg9 : memref<80x32xf32, #tpu.memory_space<vmem>>) offsets(%dma_start3A_33 : memref<80xi32, #tpu.memory_space<vmem>>) semaphore(%arg12 : memref<!tpu.dma_semaphore, #tpu.memory_space<semaphore_mem>>)
      %add3A_37 = arith.constant 1 : i32
      %add3A_38 = arith.addi %add3A_30, %add3A_37 : i32
      %dma_start3A_39 = arith.constant 0 : i32
      %dma_start3A_40 = tpu.memref_slice %arg7[%add3A_38, %dma_start3A_39] : memref<125x80xi32, #tpu.memory_space<vmem>> -> memref<1x80xi32, #tpu.memory_space<vmem>>
      %dma_start3A_41 = tpu.memref_squeeze %dma_start3A_40 : memref<1x80xi32, #tpu.memory_space<vmem>> -> memref<80xi32, #tpu.memory_space<vmem>>
      %dma_start3A_42 = arith.constant 0 : i32
      %dma_start3A_43 = arith.constant 0 : i32
      %dma_start3A_44 = tpu.memref_slice %arg4[%dma_start3A_42, %dma_start3A_43] : memref<10240x32xf32, #tpu.memory_space<hbm>> -> memref<10240x32xf32, #tpu.memory_space<hbm>>
      tpu.enqueue_indirect_dma source(%dma_start3A_44 : memref<10240x32xf32, #tpu.memory_space<hbm>>) target(%arg10 : memref<80x32xf32, #tpu.memory_space<vmem>>) offsets(%dma_start3A_41 : memref<80xi32, #tpu.memory_space<vmem>>) semaphore(%arg13 : memref<!tpu.dma_semaphore, #tpu.memory_space<semaphore_mem>>)
      %dma_wait3A_45 = arith.constant 0 : i32
      %dma_wait3A_46 = tpu.memref_slice %arg7[%add3A_30, %dma_wait3A_45] : memref<125x80xi32, #tpu.memory_space<vmem>> -> memref<1x80xi32, #tpu.memory_space<vmem>>
      %dma_wait3A_47 = tpu.memref_squeeze %dma_wait3A_46 : memref<1x80xi32, #tpu.memory_space<vmem>> -> memref<80xi32, #tpu.memory_space<vmem>>
      %dma_wait3A_48 = arith.constant 0 : i32
      %dma_wait3A_49 = arith.constant 0 : i32
      %dma_wait3A_50 = tpu.memref_slice %arg4[%dma_wait3A_48, %dma_wait3A_49] : memref<10240x32xf32, #tpu.memory_space<hbm>> -> memref<10240x32xf32, #tpu.memory_space<hbm>>
      tpu.wait_indirect_dma semaphore(%arg12 : memref<!tpu.dma_semaphore, #tpu.memory_space<semaphore_mem>>) src(%dma_wait3A_50 : memref<10240x32xf32, #tpu.memory_space<hbm>>) dst(%arg9 : memref<80x32xf32, #tpu.memory_space<vmem>>)
      "tpu.region"() ({
        %run_scoped3A_59 = tpu.sem_alloc : memref<!tpu.dma_semaphore, #tpu.memory_space<semaphore_mem>>
        %dma_start3A_60 = arith.constant 0 : i32
        %dma_start3A_61 = tpu.memref_slice %arg8[%add3A_30, %dma_start3A_60] : memref<125x80xi32, #tpu.memory_space<vmem>> -> memref<1x80xi32, #tpu.memory_space<vmem>>
        %dma_start3A_62 = tpu.memref_squeeze %dma_start3A_61 : memref<1x80xi32, #tpu.memory_space<vmem>> -> memref<80xi32, #tpu.memory_space<vmem>>
        %dma_start3A_63 = arith.constant 0 : i32
        %dma_start3A_64 = arith.constant 0 : i32
        %dma_start3A_65 = tpu.memref_slice %arg11[%dma_start3A_63, %dma_start3A_64] : memref<10240x32xf32, #tpu.memory_space<vmem_shared>> -> memref<10240x32xf32, #tpu.memory_space<vmem_shared>>
        tpu.enqueue_indirect_dma source(%arg9 : memref<80x32xf32, #tpu.memory_space<vmem>>) target(%dma_start3A_65 : memref<10240x32xf32, #tpu.memory_space<vmem_shared>>) offsets(%dma_start3A_62 : memref<80xi32, #tpu.memory_space<vmem>>) semaphore(%run_scoped3A_59 : memref<!tpu.dma_semaphore, #tpu.memory_space<semaphore_mem>>) {add = true}
        %dma_wait3A_66 = arith.constant 0 : i32
        %dma_wait3A_67 = tpu.memref_slice %arg8[%add3A_30, %dma_wait3A_66] : memref<125x80xi32, #tpu.memory_space<vmem>> -> memref<1x80xi32, #tpu.memory_space<vmem>>
        %dma_wait3A_68 = tpu.memref_squeeze %dma_wait3A_67 : memref<1x80xi32, #tpu.memory_space<vmem>> -> memref<80xi32, #tpu.memory_space<vmem>>
        %dma_wait3A_69 = arith.constant 0 : i32
        %dma_wait3A_70 = arith.constant 0 : i32
        %dma_wait3A_71 = tpu.memref_slice %arg11[%dma_wait3A_69, %dma_wait3A_70] : memref<10240x32xf32, #tpu.memory_space<vmem_shared>> -> memref<10240x32xf32, #tpu.memory_space<vmem_shared>>
        tpu.wait_indirect_dma semaphore(%run_scoped3A_59 : memref<!tpu.dma_semaphore, #tpu.memory_space<semaphore_mem>>) src(%arg9 : memref<80x32xf32, #tpu.memory_space<vmem>>) dst(%dma_wait3A_71 : memref<10240x32xf32, #tpu.memory_space<vmem_shared>>)
        tpu.yield
      }) : () -> ()
      %dma_wait3A_51 = arith.constant 0 : i32
      %dma_wait3A_52 = tpu.memref_slice %arg7[%add3A_38, %dma_wait3A_51] : memref<125x80xi32, #tpu.memory_space<vmem>> -> memref<1x80xi32, #tpu.memory_space<vmem>>
      %dma_wait3A_53 = tpu.memref_squeeze %dma_wait3A_52 : memref<1x80xi32, #tpu.memory_space<vmem>> -> memref<80xi32, #tpu.memory_space<vmem>>
      %dma_wait3A_54 = arith.constant 0 : i32
      %dma_wait3A_55 = arith.constant 0 : i32
      %dma_wait3A_56 = tpu.memref_slice %arg4[%dma_wait3A_54, %dma_wait3A_55] : memref<10240x32xf32, #tpu.memory_space<hbm>> -> memref<10240x32xf32, #tpu.memory_space<hbm>>
      tpu.wait_indirect_dma semaphore(%arg13 : memref<!tpu.dma_semaphore, #tpu.memory_space<semaphore_mem>>) src(%dma_wait3A_56 : memref<10240x32xf32, #tpu.memory_space<hbm>>) dst(%arg10 : memref<80x32xf32, #tpu.memory_space<vmem>>)
      %add3A_57 = arith.constant 1 : i32
      %add3A_58 = arith.addi %add3A_30, %add3A_57 : i32
      "tpu.region"() ({
        %run_scoped3A_59 = tpu.sem_alloc : memref<!tpu.dma_semaphore, #tpu.memory_space<semaphore_mem>>
        %dma_start3A_60 = arith.constant 0 : i32
        %dma_start3A_61 = tpu.memref_slice %arg8[%add3A_58, %dma_start3A_60] : memref<125x80xi32, #tpu.memory_space<vmem>> -> memref<1x80xi32, #tpu.memory_space<vmem>>
        %dma_start3A_62 = tpu.memref_squeeze %dma_start3A_61 : memref<1x80xi32, #tpu.memory_space<vmem>> -> memref<80xi32, #tpu.memory_space<vmem>>
        %dma_start3A_63 = arith.constant 0 : i32
        %dma_start3A_64 = arith.constant 0 : i32
        %dma_start3A_65 = tpu.memref_slice %arg11[%dma_start3A_63, %dma_start3A_64] : memref<10240x32xf32, #tpu.memory_space<vmem_shared>> -> memref<10240x32xf32, #tpu.memory_space<vmem_shared>>
        tpu.enqueue_indirect_dma source(%arg10 : memref<80x32xf32, #tpu.memory_space<vmem>>) target(%dma_start3A_65 : memref<10240x32xf32, #tpu.memory_space<vmem_shared>>) offsets(%dma_start3A_62 : memref<80xi32, #tpu.memory_space<vmem>>) semaphore(%run_scoped3A_59 : memref<!tpu.dma_semaphore, #tpu.memory_space<semaphore_mem>>) {add = true}
        %dma_wait3A_66 = arith.constant 0 : i32
        %dma_wait3A_67 = tpu.memref_slice %arg8[%add3A_58, %dma_wait3A_66] : memref<125x80xi32, #tpu.memory_space<vmem>> -> memref<1x80xi32, #tpu.memory_space<vmem>>
        %dma_wait3A_68 = tpu.memref_squeeze %dma_wait3A_67 : memref<1x80xi32, #tpu.memory_space<vmem>> -> memref<80xi32, #tpu.memory_space<vmem>>
        %dma_wait3A_69 = arith.constant 0 : i32
        %dma_wait3A_70 = arith.constant 0 : i32
        %dma_wait3A_71 = tpu.memref_slice %arg11[%dma_wait3A_69, %dma_wait3A_70] : memref<10240x32xf32, #tpu.memory_space<vmem_shared>> -> memref<10240x32xf32, #tpu.memory_space<vmem_shared>>
        tpu.wait_indirect_dma semaphore(%run_scoped3A_59 : memref<!tpu.dma_semaphore, #tpu.memory_space<semaphore_mem>>) src(%arg10 : memref<80x32xf32, #tpu.memory_space<vmem>>) dst(%dma_wait3A_71 : memref<10240x32xf32, #tpu.memory_space<vmem_shared>>)
        tpu.yield
      }) : () -> ()
    }
    %scan3A_12 = arith.constant 62 : i32
    %dma_start3A = arith.constant 124 : i32
    %dma_start3A_13 = arith.constant 0 : i32
    %dma_start3A_14 = tpu.memref_slice %arg7[%dma_start3A, %dma_start3A_13] : memref<125x80xi32, #tpu.memory_space<vmem>> -> memref<1x80xi32, #tpu.memory_space<vmem>>
    %dma_start3A_15 = tpu.memref_squeeze %dma_start3A_14 : memref<1x80xi32, #tpu.memory_space<vmem>> -> memref<80xi32, #tpu.memory_space<vmem>>
    %dma_start3A_16 = arith.constant 0 : i32
    %dma_start3A_17 = arith.constant 0 : i32
    %dma_start3A_18 = tpu.memref_slice %arg4[%dma_start3A_16, %dma_start3A_17] : memref<10240x32xf32, #tpu.memory_space<hbm>> -> memref<10240x32xf32, #tpu.memory_space<hbm>>
    tpu.enqueue_indirect_dma source(%dma_start3A_18 : memref<10240x32xf32, #tpu.memory_space<hbm>>) target(%arg9 : memref<80x32xf32, #tpu.memory_space<vmem>>) offsets(%dma_start3A_15 : memref<80xi32, #tpu.memory_space<vmem>>) semaphore(%arg12 : memref<!tpu.dma_semaphore, #tpu.memory_space<semaphore_mem>>)
    %dma_wait3A = arith.constant 124 : i32
    %dma_wait3A_19 = arith.constant 0 : i32
    %dma_wait3A_20 = tpu.memref_slice %arg7[%dma_wait3A, %dma_wait3A_19] : memref<125x80xi32, #tpu.memory_space<vmem>> -> memref<1x80xi32, #tpu.memory_space<vmem>>
    %dma_wait3A_21 = tpu.memref_squeeze %dma_wait3A_20 : memref<1x80xi32, #tpu.memory_space<vmem>> -> memref<80xi32, #tpu.memory_space<vmem>>
    %dma_wait3A_22 = arith.constant 0 : i32
    %dma_wait3A_23 = arith.constant 0 : i32
    %dma_wait3A_24 = tpu.memref_slice %arg4[%dma_wait3A_22, %dma_wait3A_23] : memref<10240x32xf32, #tpu.memory_space<hbm>> -> memref<10240x32xf32, #tpu.memory_space<hbm>>
    tpu.wait_indirect_dma semaphore(%arg12 : memref<!tpu.dma_semaphore, #tpu.memory_space<semaphore_mem>>) src(%dma_wait3A_24 : memref<10240x32xf32, #tpu.memory_space<hbm>>) dst(%arg9 : memref<80x32xf32, #tpu.memory_space<vmem>>)
    %run_scoped3A = arith.constant 124 : i32
    "tpu.region"() ({
      %run_scoped3A_26 = tpu.sem_alloc : memref<!tpu.dma_semaphore, #tpu.memory_space<semaphore_mem>>
      %dma_start3A_27 = arith.constant 0 : i32
      %dma_start3A_28 = tpu.memref_slice %arg8[%run_scoped3A, %dma_start3A_27] : memref<125x80xi32, #tpu.memory_space<vmem>> -> memref<1x80xi32, #tpu.memory_space<vmem>>
      %dma_start3A_29 = tpu.memref_squeeze %dma_start3A_28 : memref<1x80xi32, #tpu.memory_space<vmem>> -> memref<80xi32, #tpu.memory_space<vmem>>
      %dma_start3A_30 = arith.constant 0 : i32
      %dma_start3A_31 = arith.constant 0 : i32
      %dma_start3A_32 = tpu.memref_slice %arg11[%dma_start3A_30, %dma_start3A_31] : memref<10240x32xf32, #tpu.memory_space<vmem_shared>> -> memref<10240x32xf32, #tpu.memory_space<vmem_shared>>
      tpu.enqueue_indirect_dma source(%arg9 : memref<80x32xf32, #tpu.memory_space<vmem>>) target(%dma_start3A_32 : memref<10240x32xf32, #tpu.memory_space<vmem_shared>>) offsets(%dma_start3A_29 : memref<80xi32, #tpu.memory_space<vmem>>) semaphore(%run_scoped3A_26 : memref<!tpu.dma_semaphore, #tpu.memory_space<semaphore_mem>>) {add = true}
      %dma_wait3A_33 = arith.constant 0 : i32
      %dma_wait3A_34 = tpu.memref_slice %arg8[%run_scoped3A, %dma_wait3A_33] : memref<125x80xi32, #tpu.memory_space<vmem>> -> memref<1x80xi32, #tpu.memory_space<vmem>>
      %dma_wait3A_35 = tpu.memref_squeeze %dma_wait3A_34 : memref<1x80xi32, #tpu.memory_space<vmem>> -> memref<80xi32, #tpu.memory_space<vmem>>
      %dma_wait3A_36 = arith.constant 0 : i32
      %dma_wait3A_37 = arith.constant 0 : i32
      %dma_wait3A_38 = tpu.memref_slice %arg11[%dma_wait3A_36, %dma_wait3A_37] : memref<10240x32xf32, #tpu.memory_space<vmem_shared>> -> memref<10240x32xf32, #tpu.memory_space<vmem_shared>>
      tpu.wait_indirect_dma semaphore(%run_scoped3A_26 : memref<!tpu.dma_semaphore, #tpu.memory_space<semaphore_mem>>) src(%arg9 : memref<80x32xf32, #tpu.memory_space<vmem>>) dst(%dma_wait3A_38 : memref<10240x32xf32, #tpu.memory_space<vmem_shared>>)
      tpu.yield
    }) : () -> ()
    %barrier3A_25 = arith.constant 0 : index
    tpu.barrier barrier_id(%barrier3A_25)
    "tpu.region"() ({
      %run_scoped3A_26 = tpu.sem_alloc : memref<!tpu.dma_semaphore, #tpu.memory_space<semaphore_mem>>
      %dma_start3A_27 = arith.constant 0 : i32
      %dma_start3A_28 = tpu.memref_slice %arg6[%arg0, %mul3A_2, %dma_start3A_27] : memref<2x10240x32xf32, #tpu.memory_space<hbm>> -> memref<1x640x32xf32, #tpu.memory_space<hbm>>
      %dma_start3A_29 = tpu.memref_squeeze %dma_start3A_28 : memref<1x640x32xf32, #tpu.memory_space<hbm>> -> memref<640x32xf32, #tpu.memory_space<hbm>>
      %dma_start3A_30 = arith.constant 0 : i32
      %dma_start3A_31 = tpu.memref_slice %arg11[%mul3A_2, %dma_start3A_30] : memref<10240x32xf32, #tpu.memory_space<vmem_shared>> -> memref<640x32xf32, #tpu.memory_space<vmem_shared>>
      tpu.enqueue_dma source(%dma_start3A_31 : memref<640x32xf32, #tpu.memory_space<vmem_shared>>) target(%dma_start3A_29 : memref<640x32xf32, #tpu.memory_space<hbm>>) target_semaphore(%run_scoped3A_26 : memref<!tpu.dma_semaphore, #tpu.memory_space<semaphore_mem>>)
      %dma_wait3A_32 = arith.constant 0 : i32
      %dma_wait3A_33 = tpu.memref_slice %arg6[%arg0, %mul3A_2, %dma_wait3A_32] : memref<2x10240x32xf32, #tpu.memory_space<hbm>> -> memref<1x640x32xf32, #tpu.memory_space<hbm>>
      %dma_wait3A_34 = tpu.memref_squeeze %dma_wait3A_33 : memref<1x640x32xf32, #tpu.memory_space<hbm>> -> memref<640x32xf32, #tpu.memory_space<hbm>>
      %dma_wait3A_35 = arith.constant 0 : i32
      %dma_wait3A_36 = tpu.memref_slice %arg11[%mul3A_2, %dma_wait3A_35] : memref<10240x32xf32, #tpu.memory_space<vmem_shared>> -> memref<640x32xf32, #tpu.memory_space<vmem_shared>>
      tpu.wait_dma2 semaphore(%run_scoped3A_26 : memref<!tpu.dma_semaphore, #tpu.memory_space<semaphore_mem>>) src(%dma_wait3A_36 : memref<640x32xf32, #tpu.memory_space<vmem_shared>>) dst(%dma_wait3A_34 : memref<640x32xf32, #tpu.memory_space<hbm>>)
      tpu.yield
    }) : () -> ()
    return
  }
}

#map = affine_map<(d0, d1) -> (0, 0, 0)>
#map1 = affine_map<(d0, d1) -> (0, 0)>
module attributes {stable_mosaic.version = 14 : i64} {
  func.func @agg(%arg0: i32, %arg1: i32, %arg2: memref<32x125x80xi32, #tpu.memory_space<hbm>>, %arg3: memref<32x125x80xi32, #tpu.memory_space<hbm>>, %arg4: memref<10240x32xf32, #tpu.memory_space<hbm>>, %arg5: memref<10240x32xf32, #tpu.memory_space<hbm>>, %arg6: memref<2x10240x32xf32, #tpu.memory_space<hbm>>, %arg7: memref<125x80xi32, #tpu.memory_space<vmem>>, %arg8: memref<125x80xi32, #tpu.memory_space<vmem>>, %arg9: memref<80x32xf32, #tpu.memory_space<vmem>>, %arg10: memref<80x32xf32, #tpu.memory_space<vmem>>, %arg11: memref<10240x32xf32, #tpu.memory_space<vmem_shared>>, %arg12: memref<!tpu.dma_semaphore, #tpu.memory_space<semaphore_mem>>, %arg13: memref<!tpu.dma_semaphore, #tpu.memory_space<semaphore_mem>>) attributes {dimension_semantics = [#tpu.dimension_semantics<core_parallel>, #tpu.dimension_semantics<subcore_parallel>], iteration_bounds = array<i64: 2, 16>, scalar_prefetch = 0 : i64, scratch_operands = 7 : i64, tpu.core_type = #tpu.core_type<sc_vector_subcore>, window_params = [{transform_indices = #map}, {transform_indices = #map}, {transform_indices = #map1}, {transform_indices = #map1}, {transform_indices = #map}]} {
    %mul3A = arith.constant 16 : i32
    %mul3A_0 = arith.muli %arg0, %mul3A : i32
    %add3A = arith.addi %mul3A_0, %arg1 : i32
    %mul3A_1 = arith.constant 640 : i32
    %mul3A_2 = arith.muli %arg1, %mul3A_1 : i32
    %eq3A = arith.constant 0 : i32
    %eq3A_3 = arith.cmpi eq, %arg0, %eq3A : i32
    %convert_element_type3A = arith.extui %eq3A_3 : i1 to i32
    %cond3A = arith.constant 0 : i32
    %cond3A_4 = arith.cmpi ne, %convert_element_type3A, %cond3A : i32
    scf.if %cond3A_4 {
      "tpu.region"() ({
        %run_scoped3A_26 = tpu.sem_alloc : memref<!tpu.dma_semaphore, #tpu.memory_space<semaphore_mem>>
        %dma_start3A_27 = arith.constant 0 : i32
        %dma_start3A_28 = tpu.memref_slice %arg11[%mul3A_2, %dma_start3A_27] : memref<10240x32xf32, #tpu.memory_space<vmem_shared>> -> memref<640x32xf32, #tpu.memory_space<vmem_shared>>
        %dma_start3A_29 = arith.constant 0 : i32
        %dma_start3A_30 = tpu.memref_slice %arg4[%mul3A_2, %dma_start3A_29] : memref<10240x32xf32, #tpu.memory_space<hbm>> -> memref<640x32xf32, #tpu.memory_space<hbm>>
        tpu.enqueue_dma source(%dma_start3A_30 : memref<640x32xf32, #tpu.memory_space<hbm>>) target(%dma_start3A_28 : memref<640x32xf32, #tpu.memory_space<vmem_shared>>) target_semaphore(%run_scoped3A_26 : memref<!tpu.dma_semaphore, #tpu.memory_space<semaphore_mem>>)
        %dma_wait3A_31 = arith.constant 0 : i32
        %dma_wait3A_32 = tpu.memref_slice %arg11[%mul3A_2, %dma_wait3A_31] : memref<10240x32xf32, #tpu.memory_space<vmem_shared>> -> memref<640x32xf32, #tpu.memory_space<vmem_shared>>
        %dma_wait3A_33 = arith.constant 0 : i32
        %dma_wait3A_34 = tpu.memref_slice %arg4[%mul3A_2, %dma_wait3A_33] : memref<10240x32xf32, #tpu.memory_space<hbm>> -> memref<640x32xf32, #tpu.memory_space<hbm>>
        tpu.wait_dma2 semaphore(%run_scoped3A_26 : memref<!tpu.dma_semaphore, #tpu.memory_space<semaphore_mem>>) src(%dma_wait3A_34 : memref<640x32xf32, #tpu.memory_space<hbm>>) dst(%dma_wait3A_32 : memref<640x32xf32, #tpu.memory_space<vmem_shared>>)
        tpu.yield
      }) : () -> ()
    } else {
    }
    %ne3A = arith.constant 0 : i32
    %ne3A_5 = arith.cmpi ne, %arg0, %ne3A : i32
    %convert_element_type3A_6 = arith.extui %ne3A_5 : i1 to i32
    %cond3A_7 = arith.constant 0 : i32
    %cond3A_8 = arith.cmpi ne, %convert_element_type3A_6, %cond3A_7 : i32
    scf.if %cond3A_8 {
      "tpu.region"() ({
        %run_scoped3A_26 = tpu.sem_alloc : memref<!tpu.dma_semaphore, #tpu.memory_space<semaphore_mem>>
        %dma_start3A_27 = arith.constant 0 : i32
        %dma_start3A_28 = tpu.memref_slice %arg11[%mul3A_2, %dma_start3A_27] : memref<10240x32xf32, #tpu.memory_space<vmem_shared>> -> memref<640x32xf32, #tpu.memory_space<vmem_shared>>
        %dma_start3A_29 = arith.constant 0 : i32
        %dma_start3A_30 = tpu.memref_slice %arg5[%mul3A_2, %dma_start3A_29] : memref<10240x32xf32, #tpu.memory_space<hbm>> -> memref<640x32xf32, #tpu.memory_space<hbm>>
        tpu.enqueue_dma source(%dma_start3A_30 : memref<640x32xf32, #tpu.memory_space<hbm>>) target(%dma_start3A_28 : memref<640x32xf32, #tpu.memory_space<vmem_shared>>) target_semaphore(%run_scoped3A_26 : memref<!tpu.dma_semaphore, #tpu.memory_space<semaphore_mem>>)
        %dma_wait3A_31 = arith.constant 0 : i32
        %dma_wait3A_32 = tpu.memref_slice %arg11[%mul3A_2, %dma_wait3A_31] : memref<10240x32xf32, #tpu.memory_space<vmem_shared>> -> memref<640x32xf32, #tpu.memory_space<vmem_shared>>
        %dma_wait3A_33 = arith.constant 0 : i32
        %dma_wait3A_34 = tpu.memref_slice %arg5[%mul3A_2, %dma_wait3A_33] : memref<10240x32xf32, #tpu.memory_space<hbm>> -> memref<640x32xf32, #tpu.memory_space<hbm>>
        tpu.wait_dma2 semaphore(%run_scoped3A_26 : memref<!tpu.dma_semaphore, #tpu.memory_space<semaphore_mem>>) src(%dma_wait3A_34 : memref<640x32xf32, #tpu.memory_space<hbm>>) dst(%dma_wait3A_32 : memref<640x32xf32, #tpu.memory_space<vmem_shared>>)
        tpu.yield
      }) : () -> ()
    } else {
    }
    "tpu.region"() ({
      %run_scoped3A_26 = tpu.sem_alloc : memref<!tpu.dma_semaphore, #tpu.memory_space<semaphore_mem>>
      %dma_start3A_27 = arith.constant 0 : i32
      %dma_start3A_28 = arith.constant 0 : i32
      %dma_start3A_29 = tpu.memref_slice %arg2[%add3A, %dma_start3A_27, %dma_start3A_28] : memref<32x125x80xi32, #tpu.memory_space<hbm>> -> memref<1x125x80xi32, #tpu.memory_space<hbm>>
      %dma_start3A_30 = tpu.memref_squeeze %dma_start3A_29 : memref<1x125x80xi32, #tpu.memory_space<hbm>> -> memref<125x80xi32, #tpu.memory_space<hbm>>
      %dma_start3A_31 = arith.constant 0 : i32
      %dma_start3A_32 = arith.constant 0 : i32
      %dma_start3A_33 = tpu.memref_slice %arg2[%add3A, %dma_start3A_31, %dma_start3A_32] : memref<32x125x80xi32, #tpu.memory_space<hbm>> -> memref<1x125x80xi32, #tpu.memory_space<hbm>>
      %dma_start3A_34 = tpu.memref_squeeze %dma_start3A_33 : memref<1x125x80xi32, #tpu.memory_space<hbm>> -> memref<125x80xi32, #tpu.memory_space<hbm>>
      tpu.enqueue_dma source(%dma_start3A_34 : memref<125x80xi32, #tpu.memory_space<hbm>>) target(%arg7 : memref<125x80xi32, #tpu.memory_space<vmem>>) target_semaphore(%run_scoped3A_26 : memref<!tpu.dma_semaphore, #tpu.memory_space<semaphore_mem>>)
      %dma_wait3A_35 = arith.constant 0 : i32
      %dma_wait3A_36 = arith.constant 0 : i32
      %dma_wait3A_37 = tpu.memref_slice %arg2[%add3A, %dma_wait3A_35, %dma_wait3A_36] : memref<32x125x80xi32, #tpu.memory_space<hbm>> -> memref<1x125x80xi32, #tpu.memory_space<hbm>>
      %dma_wait3A_38 = tpu.memref_squeeze %dma_wait3A_37 : memref<1x125x80xi32, #tpu.memory_space<hbm>> -> memref<125x80xi32, #tpu.memory_space<hbm>>
      %dma_wait3A_39 = arith.constant 0 : i32
      %dma_wait3A_40 = arith.constant 0 : i32
      %dma_wait3A_41 = tpu.memref_slice %arg2[%add3A, %dma_wait3A_39, %dma_wait3A_40] : memref<32x125x80xi32, #tpu.memory_space<hbm>> -> memref<1x125x80xi32, #tpu.memory_space<hbm>>
      %dma_wait3A_42 = tpu.memref_squeeze %dma_wait3A_41 : memref<1x125x80xi32, #tpu.memory_space<hbm>> -> memref<125x80xi32, #tpu.memory_space<hbm>>
      tpu.wait_dma2 semaphore(%run_scoped3A_26 : memref<!tpu.dma_semaphore, #tpu.memory_space<semaphore_mem>>) src(%dma_wait3A_42 : memref<125x80xi32, #tpu.memory_space<hbm>>) dst(%arg7 : memref<125x80xi32, #tpu.memory_space<vmem>>)
      tpu.yield
    }) : () -> ()
    "tpu.region"() ({
      %run_scoped3A_26 = tpu.sem_alloc : memref<!tpu.dma_semaphore, #tpu.memory_space<semaphore_mem>>
      %dma_start3A_27 = arith.constant 0 : i32
      %dma_start3A_28 = arith.constant 0 : i32
      %dma_start3A_29 = tpu.memref_slice %arg3[%add3A, %dma_start3A_27, %dma_start3A_28] : memref<32x125x80xi32, #tpu.memory_space<hbm>> -> memref<1x125x80xi32, #tpu.memory_space<hbm>>
      %dma_start3A_30 = tpu.memref_squeeze %dma_start3A_29 : memref<1x125x80xi32, #tpu.memory_space<hbm>> -> memref<125x80xi32, #tpu.memory_space<hbm>>
      %dma_start3A_31 = arith.constant 0 : i32
      %dma_start3A_32 = arith.constant 0 : i32
      %dma_start3A_33 = tpu.memref_slice %arg3[%add3A, %dma_start3A_31, %dma_start3A_32] : memref<32x125x80xi32, #tpu.memory_space<hbm>> -> memref<1x125x80xi32, #tpu.memory_space<hbm>>
      %dma_start3A_34 = tpu.memref_squeeze %dma_start3A_33 : memref<1x125x80xi32, #tpu.memory_space<hbm>> -> memref<125x80xi32, #tpu.memory_space<hbm>>
      tpu.enqueue_dma source(%dma_start3A_34 : memref<125x80xi32, #tpu.memory_space<hbm>>) target(%arg8 : memref<125x80xi32, #tpu.memory_space<vmem>>) target_semaphore(%run_scoped3A_26 : memref<!tpu.dma_semaphore, #tpu.memory_space<semaphore_mem>>)
      %dma_wait3A_35 = arith.constant 0 : i32
      %dma_wait3A_36 = arith.constant 0 : i32
      %dma_wait3A_37 = tpu.memref_slice %arg3[%add3A, %dma_wait3A_35, %dma_wait3A_36] : memref<32x125x80xi32, #tpu.memory_space<hbm>> -> memref<1x125x80xi32, #tpu.memory_space<hbm>>
      %dma_wait3A_38 = tpu.memref_squeeze %dma_wait3A_37 : memref<1x125x80xi32, #tpu.memory_space<hbm>> -> memref<125x80xi32, #tpu.memory_space<hbm>>
      %dma_wait3A_39 = arith.constant 0 : i32
      %dma_wait3A_40 = arith.constant 0 : i32
      %dma_wait3A_41 = tpu.memref_slice %arg3[%add3A, %dma_wait3A_39, %dma_wait3A_40] : memref<32x125x80xi32, #tpu.memory_space<hbm>> -> memref<1x125x80xi32, #tpu.memory_space<hbm>>
      %dma_wait3A_42 = tpu.memref_squeeze %dma_wait3A_41 : memref<1x125x80xi32, #tpu.memory_space<hbm>> -> memref<125x80xi32, #tpu.memory_space<hbm>>
      tpu.wait_dma2 semaphore(%run_scoped3A_26 : memref<!tpu.dma_semaphore, #tpu.memory_space<semaphore_mem>>) src(%dma_wait3A_42 : memref<125x80xi32, #tpu.memory_space<hbm>>) dst(%arg8 : memref<125x80xi32, #tpu.memory_space<vmem>>)
      tpu.yield
    }) : () -> ()
    %barrier3A = arith.constant 0 : index
    tpu.barrier barrier_id(%barrier3A)
    %scan3A = arith.constant 0 : i32
    %scan3A_9 = arith.constant 62 : i32
    %scan3A_10 = arith.addi %scan3A, %scan3A_9 : i32
    %scan3A_11 = arith.constant 1 : i32
    scf.for %scan3A_26 = %scan3A to %scan3A_10 step %scan3A_11  : i32 {
      %mul3A_27 = arith.constant 2 : i32
      %mul3A_28 = arith.muli %scan3A_26, %mul3A_27 : i32
      %add3A_29 = arith.constant 0 : i32
      %add3A_30 = arith.addi %add3A_29, %mul3A_28 : i32
      %dma_start3A_31 = arith.constant 0 : i32
      %dma_start3A_32 = tpu.memref_slice %arg7[%add3A_30, %dma_start3A_31] : memref<125x80xi32, #tpu.memory_space<vmem>> -> memref<1x80xi32, #tpu.memory_space<vmem>>
      %dma_start3A_33 = tpu.memref_squeeze %dma_start3A_32 : memref<1x80xi32, #tpu.memory_space<vmem>> -> memref<80xi32, #tpu.memory_space<vmem>>
      %dma_start3A_34 = arith.constant 0 : i32
      %dma_start3A_35 = arith.constant 0 : i32
      %dma_start3A_36 = tpu.memref_slice %arg4[%dma_start3A_34, %dma_start3A_35] : memref<10240x32xf32, #tpu.memory_space<hbm>> -> memref<10240x32xf32, #tpu.memory_space<hbm>>
      tpu.enqueue_indirect_dma source(%dma_start3A_36 : memref<10240x32xf32, #tpu.memory_space<hbm>>) target(%arg9 : memref<80x32xf32, #tpu.memory_space<vmem>>) offsets(%dma_start3A_33 : memref<80xi32, #tpu.memory_space<vmem>>) semaphore(%arg12 : memref<!tpu.dma_semaphore, #tpu.memory_space<semaphore_mem>>)
      %add3A_37 = arith.constant 1 : i32
      %add3A_38 = arith.addi %add3A_30, %add3A_37 : i32
      %dma_start3A_39 = arith.constant 0 : i32
      %dma_start3A_40 = tpu.memref_slice %arg7[%add3A_38, %dma_start3A_39] : memref<125x80xi32, #tpu.memory_space<vmem>> -> memref<1x80xi32, #tpu.memory_space<vmem>>
      %dma_start3A_41 = tpu.memref_squeeze %dma_start3A_40 : memref<1x80xi32, #tpu.memory_space<vmem>> -> memref<80xi32, #tpu.memory_space<vmem>>
      %dma_start3A_42 = arith.constant 0 : i32
      %dma_start3A_43 = arith.constant 0 : i32
      %dma_start3A_44 = tpu.memref_slice %arg4[%dma_start3A_42, %dma_start3A_43] : memref<10240x32xf32, #tpu.memory_space<hbm>> -> memref<10240x32xf32, #tpu.memory_space<hbm>>
      tpu.enqueue_indirect_dma source(%dma_start3A_44 : memref<10240x32xf32, #tpu.memory_space<hbm>>) target(%arg10 : memref<80x32xf32, #tpu.memory_space<vmem>>) offsets(%dma_start3A_41 : memref<80xi32, #tpu.memory_space<vmem>>) semaphore(%arg13 : memref<!tpu.dma_semaphore, #tpu.memory_space<semaphore_mem>>)
      %dma_wait3A_45 = arith.constant 0 : i32
      %dma_wait3A_46 = tpu.memref_slice %arg7[%add3A_30, %dma_wait3A_45] : memref<125x80xi32, #tpu.memory_space<vmem>> -> memref<1x80xi32, #tpu.memory_space<vmem>>
      %dma_wait3A_47 = tpu.memref_squeeze %dma_wait3A_46 : memref<1x80xi32, #tpu.memory_space<vmem>> -> memref<80xi32, #tpu.memory_space<vmem>>
      %dma_wait3A_48 = arith.constant 0 : i32
      %dma_wait3A_49 = arith.constant 0 : i32
      %dma_wait3A_50 = tpu.memref_slice %arg4[%dma_wait3A_48, %dma_wait3A_49] : memref<10240x32xf32, #tpu.memory_space<hbm>> -> memref<10240x32xf32, #tpu.memory_space<hbm>>
      tpu.wait_indirect_dma semaphore(%arg12 : memref<!tpu.dma_semaphore, #tpu.memory_space<semaphore_mem>>) src(%dma_wait3A_50 : memref<10240x32xf32, #tpu.memory_space<hbm>>) dst(%arg9 : memref<80x32xf32, #tpu.memory_space<vmem>>)
      "tpu.region"() ({
        %run_scoped3A_59 = tpu.sem_alloc : memref<!tpu.dma_semaphore, #tpu.memory_space<semaphore_mem>>
        %dma_start3A_60 = arith.constant 0 : i32
        %dma_start3A_61 = tpu.memref_slice %arg8[%add3A_30, %dma_start3A_60] : memref<125x80xi32, #tpu.memory_space<vmem>> -> memref<1x80xi32, #tpu.memory_space<vmem>>
        %dma_start3A_62 = tpu.memref_squeeze %dma_start3A_61 : memref<1x80xi32, #tpu.memory_space<vmem>> -> memref<80xi32, #tpu.memory_space<vmem>>
        %dma_start3A_63 = arith.constant 0 : i32
        %dma_start3A_64 = arith.constant 0 : i32
        %dma_start3A_65 = tpu.memref_slice %arg11[%dma_start3A_63, %dma_start3A_64] : memref<10240x32xf32, #tpu.memory_space<vmem_shared>> -> memref<10240x32xf32, #tpu.memory_space<vmem_shared>>
        tpu.enqueue_indirect_dma source(%arg9 : memref<80x32xf32, #tpu.memory_space<vmem>>) target(%dma_start3A_65 : memref<10240x32xf32, #tpu.memory_space<vmem_shared>>) offsets(%dma_start3A_62 : memref<80xi32, #tpu.memory_space<vmem>>) semaphore(%run_scoped3A_59 : memref<!tpu.dma_semaphore, #tpu.memory_space<semaphore_mem>>) {add = true}
        %dma_wait3A_66 = arith.constant 0 : i32
        %dma_wait3A_67 = tpu.memref_slice %arg8[%add3A_30, %dma_wait3A_66] : memref<125x80xi32, #tpu.memory_space<vmem>> -> memref<1x80xi32, #tpu.memory_space<vmem>>
        %dma_wait3A_68 = tpu.memref_squeeze %dma_wait3A_67 : memref<1x80xi32, #tpu.memory_space<vmem>> -> memref<80xi32, #tpu.memory_space<vmem>>
        %dma_wait3A_69 = arith.constant 0 : i32
        %dma_wait3A_70 = arith.constant 0 : i32
        %dma_wait3A_71 = tpu.memref_slice %arg11[%dma_wait3A_69, %dma_wait3A_70] : memref<10240x32xf32, #tpu.memory_space<vmem_shared>> -> memref<10240x32xf32, #tpu.memory_space<vmem_shared>>
        tpu.wait_indirect_dma semaphore(%run_scoped3A_59 : memref<!tpu.dma_semaphore, #tpu.memory_space<semaphore_mem>>) src(%arg9 : memref<80x32xf32, #tpu.memory_space<vmem>>) dst(%dma_wait3A_71 : memref<10240x32xf32, #tpu.memory_space<vmem_shared>>)
        tpu.yield
      }) : () -> ()
      %dma_wait3A_51 = arith.constant 0 : i32
      %dma_wait3A_52 = tpu.memref_slice %arg7[%add3A_38, %dma_wait3A_51] : memref<125x80xi32, #tpu.memory_space<vmem>> -> memref<1x80xi32, #tpu.memory_space<vmem>>
      %dma_wait3A_53 = tpu.memref_squeeze %dma_wait3A_52 : memref<1x80xi32, #tpu.memory_space<vmem>> -> memref<80xi32, #tpu.memory_space<vmem>>
      %dma_wait3A_54 = arith.constant 0 : i32
      %dma_wait3A_55 = arith.constant 0 : i32
      %dma_wait3A_56 = tpu.memref_slice %arg4[%dma_wait3A_54, %dma_wait3A_55] : memref<10240x32xf32, #tpu.memory_space<hbm>> -> memref<10240x32xf32, #tpu.memory_space<hbm>>
      tpu.wait_indirect_dma semaphore(%arg13 : memref<!tpu.dma_semaphore, #tpu.memory_space<semaphore_mem>>) src(%dma_wait3A_56 : memref<10240x32xf32, #tpu.memory_space<hbm>>) dst(%arg10 : memref<80x32xf32, #tpu.memory_space<vmem>>)
      %add3A_57 = arith.constant 1 : i32
      %add3A_58 = arith.addi %add3A_30, %add3A_57 : i32
      "tpu.region"() ({
        %run_scoped3A_59 = tpu.sem_alloc : memref<!tpu.dma_semaphore, #tpu.memory_space<semaphore_mem>>
        %dma_start3A_60 = arith.constant 0 : i32
        %dma_start3A_61 = tpu.memref_slice %arg8[%add3A_58, %dma_start3A_60] : memref<125x80xi32, #tpu.memory_space<vmem>> -> memref<1x80xi32, #tpu.memory_space<vmem>>
        %dma_start3A_62 = tpu.memref_squeeze %dma_start3A_61 : memref<1x80xi32, #tpu.memory_space<vmem>> -> memref<80xi32, #tpu.memory_space<vmem>>
        %dma_start3A_63 = arith.constant 0 : i32
        %dma_start3A_64 = arith.constant 0 : i32
        %dma_start3A_65 = tpu.memref_slice %arg11[%dma_start3A_63, %dma_start3A_64] : memref<10240x32xf32, #tpu.memory_space<vmem_shared>> -> memref<10240x32xf32, #tpu.memory_space<vmem_shared>>
        tpu.enqueue_indirect_dma source(%arg10 : memref<80x32xf32, #tpu.memory_space<vmem>>) target(%dma_start3A_65 : memref<10240x32xf32, #tpu.memory_space<vmem_shared>>) offsets(%dma_start3A_62 : memref<80xi32, #tpu.memory_space<vmem>>) semaphore(%run_scoped3A_59 : memref<!tpu.dma_semaphore, #tpu.memory_space<semaphore_mem>>) {add = true}
        %dma_wait3A_66 = arith.constant 0 : i32
        %dma_wait3A_67 = tpu.memref_slice %arg8[%add3A_58, %dma_wait3A_66] : memref<125x80xi32, #tpu.memory_space<vmem>> -> memref<1x80xi32, #tpu.memory_space<vmem>>
        %dma_wait3A_68 = tpu.memref_squeeze %dma_wait3A_67 : memref<1x80xi32, #tpu.memory_space<vmem>> -> memref<80xi32, #tpu.memory_space<vmem>>
        %dma_wait3A_69 = arith.constant 0 : i32
        %dma_wait3A_70 = arith.constant 0 : i32
        %dma_wait3A_71 = tpu.memref_slice %arg11[%dma_wait3A_69, %dma_wait3A_70] : memref<10240x32xf32, #tpu.memory_space<vmem_shared>> -> memref<10240x32xf32, #tpu.memory_space<vmem_shared>>
        tpu.wait_indirect_dma semaphore(%run_scoped3A_59 : memref<!tpu.dma_semaphore, #tpu.memory_space<semaphore_mem>>) src(%arg10 : memref<80x32xf32, #tpu.memory_space<vmem>>) dst(%dma_wait3A_71 : memref<10240x32xf32, #tpu.memory_space<vmem_shared>>)
        tpu.yield
      }) : () -> ()
    }
    %scan3A_12 = arith.constant 62 : i32
    %dma_start3A = arith.constant 124 : i32
    %dma_start3A_13 = arith.constant 0 : i32
    %dma_start3A_14 = tpu.memref_slice %arg7[%dma_start3A, %dma_start3A_13] : memref<125x80xi32, #tpu.memory_space<vmem>> -> memref<1x80xi32, #tpu.memory_space<vmem>>
    %dma_start3A_15 = tpu.memref_squeeze %dma_start3A_14 : memref<1x80xi32, #tpu.memory_space<vmem>> -> memref<80xi32, #tpu.memory_space<vmem>>
    %dma_start3A_16 = arith.constant 0 : i32
    %dma_start3A_17 = arith.constant 0 : i32
    %dma_start3A_18 = tpu.memref_slice %arg4[%dma_start3A_16, %dma_start3A_17] : memref<10240x32xf32, #tpu.memory_space<hbm>> -> memref<10240x32xf32, #tpu.memory_space<hbm>>
    tpu.enqueue_indirect_dma source(%dma_start3A_18 : memref<10240x32xf32, #tpu.memory_space<hbm>>) target(%arg9 : memref<80x32xf32, #tpu.memory_space<vmem>>) offsets(%dma_start3A_15 : memref<80xi32, #tpu.memory_space<vmem>>) semaphore(%arg12 : memref<!tpu.dma_semaphore, #tpu.memory_space<semaphore_mem>>)
    %dma_wait3A = arith.constant 124 : i32
    %dma_wait3A_19 = arith.constant 0 : i32
    %dma_wait3A_20 = tpu.memref_slice %arg7[%dma_wait3A, %dma_wait3A_19] : memref<125x80xi32, #tpu.memory_space<vmem>> -> memref<1x80xi32, #tpu.memory_space<vmem>>
    %dma_wait3A_21 = tpu.memref_squeeze %dma_wait3A_20 : memref<1x80xi32, #tpu.memory_space<vmem>> -> memref<80xi32, #tpu.memory_space<vmem>>
    %dma_wait3A_22 = arith.constant 0 : i32
    %dma_wait3A_23 = arith.constant 0 : i32
    %dma_wait3A_24 = tpu.memref_slice %arg4[%dma_wait3A_22, %dma_wait3A_23] : memref<10240x32xf32, #tpu.memory_space<hbm>> -> memref<10240x32xf32, #tpu.memory_space<hbm>>
    tpu.wait_indirect_dma semaphore(%arg12 : memref<!tpu.dma_semaphore, #tpu.memory_space<semaphore_mem>>) src(%dma_wait3A_24 : memref<10240x32xf32, #tpu.memory_space<hbm>>) dst(%arg9 : memref<80x32xf32, #tpu.memory_space<vmem>>)
    %run_scoped3A = arith.constant 124 : i32
    "tpu.region"() ({
      %run_scoped3A_26 = tpu.sem_alloc : memref<!tpu.dma_semaphore, #tpu.memory_space<semaphore_mem>>
      %dma_start3A_27 = arith.constant 0 : i32
      %dma_start3A_28 = tpu.memref_slice %arg8[%run_scoped3A, %dma_start3A_27] : memref<125x80xi32, #tpu.memory_space<vmem>> -> memref<1x80xi32, #tpu.memory_space<vmem>>
      %dma_start3A_29 = tpu.memref_squeeze %dma_start3A_28 : memref<1x80xi32, #tpu.memory_space<vmem>> -> memref<80xi32, #tpu.memory_space<vmem>>
      %dma_start3A_30 = arith.constant 0 : i32
      %dma_start3A_31 = arith.constant 0 : i32
      %dma_start3A_32 = tpu.memref_slice %arg11[%dma_start3A_30, %dma_start3A_31] : memref<10240x32xf32, #tpu.memory_space<vmem_shared>> -> memref<10240x32xf32, #tpu.memory_space<vmem_shared>>
      tpu.enqueue_indirect_dma source(%arg9 : memref<80x32xf32, #tpu.memory_space<vmem>>) target(%dma_start3A_32 : memref<10240x32xf32, #tpu.memory_space<vmem_shared>>) offsets(%dma_start3A_29 : memref<80xi32, #tpu.memory_space<vmem>>) semaphore(%run_scoped3A_26 : memref<!tpu.dma_semaphore, #tpu.memory_space<semaphore_mem>>) {add = true}
      %dma_wait3A_33 = arith.constant 0 : i32
      %dma_wait3A_34 = tpu.memref_slice %arg8[%run_scoped3A, %dma_wait3A_33] : memref<125x80xi32, #tpu.memory_space<vmem>> -> memref<1x80xi32, #tpu.memory_space<vmem>>
      %dma_wait3A_35 = tpu.memref_squeeze %dma_wait3A_34 : memref<1x80xi32, #tpu.memory_space<vmem>> -> memref<80xi32, #tpu.memory_space<vmem>>
      %dma_wait3A_36 = arith.constant 0 : i32
      %dma_wait3A_37 = arith.constant 0 : i32
      %dma_wait3A_38 = tpu.memref_slice %arg11[%dma_wait3A_36, %dma_wait3A_37] : memref<10240x32xf32, #tpu.memory_space<vmem_shared>> -> memref<10240x32xf32, #tpu.memory_space<vmem_shared>>
      tpu.wait_indirect_dma semaphore(%run_scoped3A_26 : memref<!tpu.dma_semaphore, #tpu.memory_space<semaphore_mem>>) src(%arg9 : memref<80x32xf32, #tpu.memory_space<vmem>>) dst(%dma_wait3A_38 : memref<10240x32xf32, #tpu.memory_space<vmem_shared>>)
      tpu.yield
    }) : () -> ()
    %barrier3A_25 = arith.constant 0 : index
    tpu.barrier barrier_id(%barrier3A_25)
    "tpu.region"() ({
      %run_scoped3A_26 = tpu.sem_alloc : memref<!tpu.dma_semaphore, #tpu.memory_space<semaphore_mem>>
      %dma_start3A_27 = arith.constant 0 : i32
      %dma_start3A_28 = tpu.memref_slice %arg6[%arg0, %mul3A_2, %dma_start3A_27] : memref<2x10240x32xf32, #tpu.memory_space<hbm>> -> memref<1x640x32xf32, #tpu.memory_space<hbm>>
      %dma_start3A_29 = tpu.memref_squeeze %dma_start3A_28 : memref<1x640x32xf32, #tpu.memory_space<hbm>> -> memref<640x32xf32, #tpu.memory_space<hbm>>
      %dma_start3A_30 = arith.constant 0 : i32
      %dma_start3A_31 = tpu.memref_slice %arg11[%mul3A_2, %dma_start3A_30] : memref<10240x32xf32, #tpu.memory_space<vmem_shared>> -> memref<640x32xf32, #tpu.memory_space<vmem_shared>>
      tpu.enqueue_dma source(%dma_start3A_31 : memref<640x32xf32, #tpu.memory_space<vmem_shared>>) target(%dma_start3A_29 : memref<640x32xf32, #tpu.memory_space<hbm>>) target_semaphore(%run_scoped3A_26 : memref<!tpu.dma_semaphore, #tpu.memory_space<semaphore_mem>>)
      %dma_wait3A_32 = arith.constant 0 : i32
      %dma_wait3A_33 = tpu.memref_slice %arg6[%arg0, %mul3A_2, %dma_wait3A_32] : memref<2x10240x32xf32, #tpu.memory_space<hbm>> -> memref<1x640x32xf32, #tpu.memory_space<hbm>>
      %dma_wait3A_34 = tpu.memref_squeeze %dma_wait3A_33 : memref<1x640x32xf32, #tpu.memory_space<hbm>> -> memref<640x32xf32, #tpu.memory_space<hbm>>
      %dma_wait3A_35 = arith.constant 0 : i32
      %dma_wait3A_36 = tpu.memref_slice %arg11[%mul3A_2, %dma_wait3A_35] : memref<10240x32xf32, #tpu.memory_space<vmem_shared>> -> memref<640x32xf32, #tpu.memory_space<vmem_shared>>
      tpu.wait_dma2 semaphore(%run_scoped3A_26 : memref<!tpu.dma_semaphore, #tpu.memory_space<semaphore_mem>>) src(%dma_wait3A_36 : memref<640x32xf32, #tpu.memory_space<vmem_shared>>) dst(%dma_wait3A_34 : memref<640x32xf32, #tpu.memory_space<hbm>>)
      tpu.yield
    }) : () -> ()
    return
  }
}

module attributes {stable_mosaic.version = 14 : i64} {
  func.func @_tc_first(%arg0: memref<2x10240x8xf32, #tpu.memory_space<vmem>>, %arg1: memref<10000x128xf32, #tpu.memory_space<vmem>>, %arg2: memref<128x32xf32, #tpu.memory_space<vmem>>, %arg3: memref<10240x32xf32, #tpu.memory_space<vmem>>, %arg4: memref<10000x1xf32, #tpu.memory_space<vmem>>) attributes {dimension_semantics = [], scalar_prefetch = 0 : i64, scratch_operands = 0 : i64, tpu.core_type = #tpu.core_type<tc>} {
    %get3A = arith.constant 0 : index
    %get3A_0 = arith.constant 0 : index
    %get3A_1 = arith.constant 0 : index
    %get3A_2 = vector.load %arg0[%get3A, %get3A_0, %get3A_1] : memref<2x10240x8xf32, #tpu.memory_space<vmem>>, vector<1x10000x1xf32>
    %get3A_3 = vector.shape_cast %get3A_2 : vector<1x10000x1xf32> to vector<10000x1xf32>
    %get3A_4 = arith.constant 1 : index
    %get3A_5 = arith.constant 0 : index
    %get3A_6 = arith.constant 0 : index
    %get3A_7 = vector.load %arg0[%get3A_4, %get3A_5, %get3A_6] : memref<2x10240x8xf32, #tpu.memory_space<vmem>>, vector<1x10000x1xf32>
    %get3A_8 = vector.shape_cast %get3A_7 : vector<1x10000x1xf32> to vector<10000x1xf32>
    %add3A = arith.addf %get3A_3, %get3A_8 : vector<10000x1xf32>
    %rsqrt3A = math.rsqrt %add3A : vector<10000x1xf32>
    %get3A_9 = arith.constant 0 : index
    %get3A_10 = arith.constant 0 : index
    %get3A_11 = vector.load %arg1[%get3A_9, %get3A_10] : memref<10000x128xf32, #tpu.memory_space<vmem>>, vector<10000x128xf32>
    %get3A_12 = arith.constant 0 : index
    %get3A_13 = arith.constant 0 : index
    %get3A_14 = vector.load %arg2[%get3A_12, %get3A_13] : memref<128x32xf32, #tpu.memory_space<vmem>>, vector<128x32xf32>
    %dot_general3A = arith.constant dense<0.000000e+00> : vector<10000x32xf32>
    %dot_general3A_15 = tpu.matmul %get3A_11, %get3A_14, %dot_general3A {dimension_numbers = #tpu.dot_dimension_numbers<[1], [0], [0], [1], [0, 0, 1, 1], [], []>, transpose_lhs_hint = false} : vector<10000x128xf32>, vector<128x32xf32>, vector<10000x32xf32> -> vector<10000x32xf32>
    %mul3A = vector.broadcast %rsqrt3A : vector<10000x1xf32> to vector<10000x32xf32>
    %mul3A_16 = arith.mulf %dot_general3A_15, %mul3A : vector<10000x32xf32>
    %swap3A = arith.constant 0 : index
    %swap3A_17 = arith.constant 0 : index
    %swap3A_18 = vector.load %arg3[%swap3A, %swap3A_17] : memref<10240x32xf32, #tpu.memory_space<vmem>>, vector<10000x32xf32>
    tpu.vector_store %arg3[%swap3A, %swap3A_17], %mul3A_16 {strides = array<i32>} : memref<10240x32xf32, #tpu.memory_space<vmem>>, vector<10000x32xf32>,
    %broadcast_in_dim3A = arith.constant 0.000000e+00 : f32
    %broadcast_in_dim3A_19 = vector.broadcast %broadcast_in_dim3A : f32 to vector<240x32xf32>
    %swap3A_20 = arith.constant 10000 : index
    %swap3A_21 = arith.constant 0 : index
    %swap3A_22 = vector.load %arg3[%swap3A_20, %swap3A_21] : memref<10240x32xf32, #tpu.memory_space<vmem>>, vector<240x32xf32>
    tpu.vector_store %arg3[%swap3A_20, %swap3A_21], %broadcast_in_dim3A_19 {strides = array<i32>} : memref<10240x32xf32, #tpu.memory_space<vmem>>, vector<240x32xf32>,
    %swap3A_23 = arith.constant 0 : index
    %swap3A_24 = arith.constant 0 : index
    %swap3A_25 = vector.load %arg4[%swap3A_23, %swap3A_24] : memref<10000x1xf32, #tpu.memory_space<vmem>>, vector<10000x1xf32>
    tpu.vector_store %arg4[%swap3A_23, %swap3A_24], %rsqrt3A {strides = array<i32>} : memref<10000x1xf32, #tpu.memory_space<vmem>>, vector<10000x1xf32>,
    return
  }
}

module attributes {stable_mosaic.version = 14 : i64} {
  func.func @_tc_mid(%arg0: memref<2x10240x32xf32, #tpu.memory_space<vmem>>, %arg1: memref<10000x1xf32, #tpu.memory_space<vmem>>, %arg2: memref<1x32xf32, #tpu.memory_space<vmem>>, %arg3: memref<10240x32xf32, #tpu.memory_space<vmem>>) attributes {dimension_semantics = [], scalar_prefetch = 0 : i64, scratch_operands = 0 : i64, tpu.core_type = #tpu.core_type<tc>} {
    %get3A = arith.constant 0 : index
    %get3A_0 = arith.constant 0 : index
    %get3A_1 = vector.load %arg1[%get3A, %get3A_0] : memref<10000x1xf32, #tpu.memory_space<vmem>>, vector<10000x1xf32>
    %get3A_2 = arith.constant 0 : index
    %get3A_3 = arith.constant 0 : index
    %get3A_4 = arith.constant 0 : index
    %get3A_5 = vector.load %arg0[%get3A_2, %get3A_3, %get3A_4] : memref<2x10240x32xf32, #tpu.memory_space<vmem>>, vector<1x10000x32xf32>
    %get3A_6 = vector.shape_cast %get3A_5 : vector<1x10000x32xf32> to vector<10000x32xf32>
    %get3A_7 = arith.constant 1 : index
    %get3A_8 = arith.constant 0 : index
    %get3A_9 = arith.constant 0 : index
    %get3A_10 = vector.load %arg0[%get3A_7, %get3A_8, %get3A_9] : memref<2x10240x32xf32, #tpu.memory_space<vmem>>, vector<1x10000x32xf32>
    %get3A_11 = vector.shape_cast %get3A_10 : vector<1x10000x32xf32> to vector<10000x32xf32>
    %add3A = arith.addf %get3A_6, %get3A_11 : vector<10000x32xf32>
    %mul3A = vector.broadcast %get3A_1 : vector<10000x1xf32> to vector<10000x32xf32>
    %mul3A_12 = arith.mulf %add3A, %mul3A : vector<10000x32xf32>
    %get3A_13 = arith.constant 0 : index
    %get3A_14 = arith.constant 0 : index
    %get3A_15 = vector.load %arg2[%get3A_13, %get3A_14] : memref<1x32xf32, #tpu.memory_space<vmem>>, vector<1x32xf32>
    %add3A_16 = vector.broadcast %get3A_15 : vector<1x32xf32> to vector<10000x32xf32>
    %add3A_17 = arith.addf %mul3A_12, %add3A_16 : vector<10000x32xf32>
    %max3A = arith.constant 0.000000e+00 : f32
    %max3A_18 = vector.broadcast %max3A : f32 to vector<10000x32xf32>
    %max3A_19 = arith.maximumf %add3A_17, %max3A_18 : vector<10000x32xf32>
    %mul3A_20 = vector.broadcast %get3A_1 : vector<10000x1xf32> to vector<10000x32xf32>
    %mul3A_21 = arith.mulf %max3A_19, %mul3A_20 : vector<10000x32xf32>
    %swap3A = arith.constant 0 : index
    %swap3A_22 = arith.constant 0 : index
    %swap3A_23 = vector.load %arg3[%swap3A, %swap3A_22] : memref<10240x32xf32, #tpu.memory_space<vmem>>, vector<10000x32xf32>
    tpu.vector_store %arg3[%swap3A, %swap3A_22], %mul3A_21 {strides = array<i32>} : memref<10240x32xf32, #tpu.memory_space<vmem>>, vector<10000x32xf32>,
    %broadcast_in_dim3A = arith.constant 0.000000e+00 : f32
    %broadcast_in_dim3A_24 = vector.broadcast %broadcast_in_dim3A : f32 to vector<240x32xf32>
    %swap3A_25 = arith.constant 10000 : index
    %swap3A_26 = arith.constant 0 : index
    %swap3A_27 = vector.load %arg3[%swap3A_25, %swap3A_26] : memref<10240x32xf32, #tpu.memory_space<vmem>>, vector<240x32xf32>
    tpu.vector_store %arg3[%swap3A_25, %swap3A_26], %broadcast_in_dim3A_24 {strides = array<i32>} : memref<10240x32xf32, #tpu.memory_space<vmem>>, vector<240x32xf32>,
    return
  }
}

module attributes {stable_mosaic.version = 14 : i64} {
  func.func @_tc_last(%arg0: memref<2x10240x32xf32, #tpu.memory_space<vmem>>, %arg1: memref<10000x1xf32, #tpu.memory_space<vmem>>, %arg2: memref<32x128xf32, #tpu.memory_space<vmem>>, %arg3: memref<1x128xf32, #tpu.memory_space<vmem>>, %arg4: memref<10000x128xf32, #tpu.memory_space<vmem>>) attributes {dimension_semantics = [], scalar_prefetch = 0 : i64, scratch_operands = 0 : i64, tpu.core_type = #tpu.core_type<tc>} {
    %get3A = arith.constant 0 : index
    %get3A_0 = arith.constant 0 : index
    %get3A_1 = arith.constant 0 : index
    %get3A_2 = vector.load %arg0[%get3A, %get3A_0, %get3A_1] : memref<2x10240x32xf32, #tpu.memory_space<vmem>>, vector<1x10000x32xf32>
    %get3A_3 = vector.shape_cast %get3A_2 : vector<1x10000x32xf32> to vector<10000x32xf32>
    %get3A_4 = arith.constant 1 : index
    %get3A_5 = arith.constant 0 : index
    %get3A_6 = arith.constant 0 : index
    %get3A_7 = vector.load %arg0[%get3A_4, %get3A_5, %get3A_6] : memref<2x10240x32xf32, #tpu.memory_space<vmem>>, vector<1x10000x32xf32>
    %get3A_8 = vector.shape_cast %get3A_7 : vector<1x10000x32xf32> to vector<10000x32xf32>
    %add3A = arith.addf %get3A_3, %get3A_8 : vector<10000x32xf32>
    %get3A_9 = arith.constant 0 : index
    %get3A_10 = arith.constant 0 : index
    %get3A_11 = vector.load %arg1[%get3A_9, %get3A_10] : memref<10000x1xf32, #tpu.memory_space<vmem>>, vector<10000x1xf32>
    %mul3A = vector.broadcast %get3A_11 : vector<10000x1xf32> to vector<10000x32xf32>
    %mul3A_12 = arith.mulf %add3A, %mul3A : vector<10000x32xf32>
    %get3A_13 = arith.constant 0 : index
    %get3A_14 = arith.constant 0 : index
    %get3A_15 = vector.load %arg2[%get3A_13, %get3A_14] : memref<32x128xf32, #tpu.memory_space<vmem>>, vector<32x128xf32>
    %dot_general3A = arith.constant dense<0.000000e+00> : vector<10000x128xf32>
    %dot_general3A_16 = tpu.matmul %mul3A_12, %get3A_15, %dot_general3A {dimension_numbers = #tpu.dot_dimension_numbers<[1], [0], [0], [1], [0, 0, 1, 1], [], []>, transpose_lhs_hint = false} : vector<10000x32xf32>, vector<32x128xf32>, vector<10000x128xf32> -> vector<10000x128xf32>
    %get3A_17 = arith.constant 0 : index
    %get3A_18 = arith.constant 0 : index
    %get3A_19 = vector.load %arg3[%get3A_17, %get3A_18] : memref<1x128xf32, #tpu.memory_space<vmem>>, vector<1x128xf32>
    %add3A_20 = vector.broadcast %get3A_19 : vector<1x128xf32> to vector<10000x128xf32>
    %add3A_21 = arith.addf %dot_general3A_16, %add3A_20 : vector<10000x128xf32>
    %swap3A = arith.constant 0 : index
    %swap3A_22 = arith.constant 0 : index
    %swap3A_23 = vector.load %arg4[%swap3A, %swap3A_22] : memref<10000x128xf32, #tpu.memory_space<vmem>>, vector<10000x128xf32>
    tpu.vector_store %arg4[%swap3A, %swap3A_22], %add3A_21 {strides = array<i32>} : memref<10000x128xf32, #tpu.memory_space<vmem>>, vector<10000x128xf32>,
    return
  }
}

</mosaic_0001>

<sc_bundles>
// kernel: kernel.11.cloned.1.call-start
scs
__scs_entry_jumppad:
0x0: {  	(pc) =	sbr.rel $0x88, $3  }
0x1: {  	(tag) =	ssettag $0x0;
	lr =	simm.s32 $0x1  }
0x2: {  	[smem:$0x3F9B] =	sst lr;
	_ =	strace $0xD0000000  }
0x3: {  	_ = 	snop  }
0x4: {  	_ = 	snop  }
0x5: {  	_ = 	snop  }
0x6: {  	_ = 	snop  }
0x7: {  	_ = 	snop  }
__scs_overlays_trampoline_lowered:
0x8: {  	[smem:$0x3FAA] =	sst s0  }
0x9: {  	[smem:$0x3FAB] =	sst s1  }
0xa: {  	[smem:$0x3FAC] =	sst s2  }
0xb: {  	[smem:$0x3FAD] =	sst s3  }
0xc: {  	[smem:$0x3FAE] =	sst s4  }
0xd: {  	[smem:$0x3FAF] =	sst s5  }
0xe: {  	[smem:$0x3FB0] =	sst s6  }
0xf: {  	[smem:$0x3FB1] =	sst s7  }
0x10: {  	[smem:$0x3FB2] =	sst s8  }
0x11: {  	[smem:$0x3FB3] =	sst s9;
	s0 =	simm.s32 @!p0 $0x0  }
0x12: {  	s1 =	sld [smem:$0x3F99];
	s0 =	simm.s32 @p0 $0x1  }
0x13: {  	[smem:$0x3FB4] =	sst s0;
	s0 =	simm.s32 @!p1 $0x0  }
0x14: {  	s2 =	sld [smem:$0x3F98];
	s0 =	simm.s32 @p1 $0x1  }
0x15: {  	[smem:$0x3FB5] =	sst s0;
	s0 =	simm.s32 @!p2 $0x0  }
0x16: {  	s3 =	sld [smem:$0x3FDB];
	s0 =	simm.s32 @p2 $0x1  }
0x17: {  	s4 =	simm.s32 $0x1BF5;
	[smem:$0x3FB7] =	sst s0  }
0x18: {  	s0 =	sld [smem:$0x3F9A];
	_ =	swait.ge [sflag:s4], $0x0  }
0x19: {  	s7 =	sld [smem:$0x3F9B]  }
0x1a: {  	s8 =	sadd.s32 $0xFFFFE003, lr  }
0x1b: {  	s9 =	sadd.s32 $0xFFFFFEF7, lr;
	s5 =	simm.s32 $0xFFFFFFFF;
	p2 =	slt.u32 s8, $0xFFFFF086  }
0x1c: {  	p1 =	slt.u32 s9, $0xF7A;
	s5 =	simm.s32 @!p2 $0x0  }
0x1d: {  	s5 =	simm.s32 @p1 $0x1;
	p0 =	seq.s32 s7, s2  }
0x1e: {  	s7 =	smul.u32 @!p0 $0xF7A, s2;
	p2 =	seq.s32 @!p0 s5, $0x0  }
0x1f: {  	s9 =	smul.u32 $0xF7A, s1;
	s8 =	simm.s32 @!p0 $0x1BF5;
	p2 =	por !p2, p0  }
0x20: {  	[sflag:s8] =	ssyncset.s32 @!p0 $0xFFFFF086;
	s6 =	sadd.s32 @!p0 s3, s7;
	s7 =	simm.s32 @!p0 $0x108  }
0x21: {  	s3 =	sadd.s32 s3, s9;
	s6 =	sadd.s32 @!p0 $0x88, s6;
	s7 =	simm.s32 @p2 $0x1082  }
0x22: {  	[simem:s7], [sflag:s8] =	dma.local @!p0 [hbm:s6], $0xF7A  }
0x23: {  	s9 =	sor.u32 $0xD0000000, s2;
	s6 =	simm.s32 $0x108;
	_ =	swait.ge @!p0 [sflag:s8], $0x0  }
0x24: {  	s3 =	sadd.s32 $0x88, s3;
	s6 =	simm.s32 @!p1 $0x1082;
	[sflag:s4] =	ssyncset.s32 $0xFFFFF086  }
0x25: {  	[simem:s6], [sflag:s4] =	dma.local [hbm:s3], $0xF7A  }
0x26: {  	[smem:$0x3F9B] =	sst s1;
	(tag) =	ssettag s2;
	_ =	strace s9  }
0x27: {  	s1 =	sld [smem:$0x3FAB]  }
0x28: {  	s2 =	sld [smem:$0x3FAC]  }
0x29: {  	s4 =	sld [smem:$0x3FAE]  }
0x2a: {  	p0 =	seq.s32 s5, $0x0;
	s5 =	sld [smem:$0x3FAF]  }
0x2b: {  	s6 =	sld [smem:$0x3FB0]  }
0x2c: {  	s7 =	sld [smem:$0x3FB1]  }
0x2d: {  	s3 =	simm.s32 $0x108;
	s8 =	sld [smem:$0x3FB2]  }
0x2e: {  	s3 =	simm.s32 @!p0 $0x1082;
	s9 =	sld [smem:$0x3FB3]  }
0x2f: {  	lr =	sadd.s32 s0, s3;
	s0 =	sld [smem:$0x3FAA]  }
0x30: {  	s3 =	sld [smem:$0x3FAD]  }
0x31: {  	[smem:$0x3FB6] =	sst s10  }
0x32: {  	s10 =	sld [smem:$0x3FB4];
	_ =	sdelay $0x3  }
0x33: {  	p0 =	seq.s32 s10, $0x1;
	s10 =	sld [smem:$0x3FB6];
	_ =	sdelay $0x3  }
0x34: {  	[smem:$0x3FB6] =	sst s10  }
0x35: {  	s10 =	sld [smem:$0x3FB5];
	_ =	sdelay $0x3  }
0x36: {  	p1 =	seq.s32 s10, $0x1;
	s10 =	sld [smem:$0x3FB6];
	_ =	sdelay $0x3  }
0x37: {  	[smem:$0x3FB6] =	sst s10  }
0x38: {  	s10 =	sld [smem:$0x3FB7]  }
0x39: {  	_ = 	snop;
	(pc) =	sbr.ind lr, $3  }
0x3a: {  	_ = 	snop  }
0x3b: {  	_ = 	snop  }
0x3c: {  	p2 =	seq.s32 s10, $0x1;
	s10 =	sld [smem:$0x3FB6]  }
0x3d: {  	_ =	shalt  }
0x3e: {  	_ =	shalt  }
0x3f: {  	_ =	shalt  }
0x40: {  	_ =	shalt  }
0x41: {  	_ =	shalt  }
0x42: {  	_ =	shalt  }
0x43: {  	_ =	shalt  }
0x44: {  	_ =	shalt  }
0x45: {  	_ =	shalt  }
0x46: {  	_ =	shalt  }
0x47: {  	_ =	shalt  }
0x48: {  	_ =	shalt  }
0x49: {  	_ =	shalt  }
0x4a: {  	_ =	shalt  }
0x4b: {  	_ =	shalt  }
0x4c: {  	_ =	shalt  }
0x4d: {  	_ =	shalt  }
0x4e: {  	_ =	shalt  }
0x4f: {  	_ =	shalt  }
0x50: {  	_ =	shalt  }
0x51: {  	_ =	shalt  }
0x52: {  	_ =	shalt  }
0x53: {  	_ =	shalt  }
0x54: {  	_ =	shalt  }
0x55: {  	_ =	shalt  }
0x56: {  	_ =	shalt  }
0x57: {  	_ =	shalt  }
0x58: {  	_ =	shalt  }
0x59: {  	_ =	shalt  }
0x5a: {  	_ =	shalt  }
0x5b: {  	_ =	shalt  }
0x5c: {  	_ =	shalt  }
0x5d: {  	_ =	shalt  }
0x5e: {  	_ =	shalt  }
0x5f: {  	_ =	shalt  }
0x60: {  	_ =	shalt  }
0x61: {  	_ =	shalt  }
0x62: {  	_ =	shalt  }
0x63: {  	_ =	shalt  }
0x64: {  	_ =	shalt  }
0x65: {  	_ =	shalt  }
0x66: {  	_ =	shalt  }
0x67: {  	_ =	shalt  }
0x68: {  	_ =	shalt  }
0x69: {  	_ =	shalt  }
0x6a: {  	_ =	shalt  }
0x6b: {  	_ =	shalt  }
0x6c: {  	_ =	shalt  }
0x6d: {  	_ =	shalt  }
0x6e: {  	_ =	shalt  }
0x6f: {  	_ =	shalt  }
0x70: {  	_ =	shalt  }
0x71: {  	_ =	shalt  }
0x72: {  	_ =	shalt  }
0x73: {  	_ =	shalt  }
0x74: {  	_ =	shalt  }
0x75: {  	_ =	shalt  }
0x76: {  	_ =	shalt  }
0x77: {  	_ =	shalt  }
0x78: {  	_ =	shalt  }
0x79: {  	_ =	shalt  }
0x7a: {  	_ =	shalt  }
0x7b: {  	_ =	shalt  }
0x7c: {  	_ =	shalt  }
0x7d: {  	_ =	shalt  }
0x7e: {  	_ =	shalt  }
0x7f: {  	_ =	shalt  }
0x80: {  	_ =	shalt  }
0x81: {  	_ =	shalt  }
0x82: {  	_ =	shalt  }
0x83: {  	_ =	shalt  }
0x84: {  	_ =	shalt  }
0x85: {  	_ =	shalt  }
0x86: {  	_ =	shalt  }
0x87: {  	_ =	shalt  }
.Lfunc_end0:
.L_simem_size_0:
called_computation.1_lowered:
.L_overlay_start_0:
0x88: {  	s2 =	sld [smem:$0x3FD9]  }
0x89: {  	s3 =	sld [smem:$0x3FFE];
	_ =	sdelay $0x1  }
0x8a: {  	s1 =	srdreg.scid  }
0x8b: {  	s0 =	sand.u32 $0x1, s1  }
0x8c: {  	s17 =	sshll.u32 s0, $0xA;
	s2 =	sadd.s32 s3, s2  }
0x8d: {  	s2 =	sadd.s32 s2, s17  }
0x8e: {  	[smem:$0x3FC2] =	sst s2  }
0x8f: {  	_ = 	snop  }
0x90: {  	s2 =	sld [smem:$0x3FD0];
	(tm) =	ssettm $0x1  }
0x91: {  	s18 =	sld [smem:$0x3FFB];
	_ =	sdelay $0x3  }
0x92: {  	_ =	strace s18  }
0x93: {  	s3 =	sld [smem:$0x3FFC];
	_ =	sdelay $0x3  }
0x94: {  	_ =	strace s3  }
0x95: {  	s3 =	sld [smem:$0x3FFD];
	_ =	sdelay $0x3  }
0x96: {  	_ =	strace s3  }
0x97: {  	_ =	strace $0x8FFFFFFF  }
0x98: {  	s19 =	sld [smem:$0x3FDB];
	_ =	sdelay $0x1  }
0x99: {  	s4 =	simm.s32 $_scs_section_size  }
0x9a: {  	s5 =	simm.s32 $_size__tile_overlayer_lowered;
	s6 =	simm.s32 $_tile_overlayer_lowered  }
0x9b: {  	s22 =	simm.s32 $0x1BFF;
	s21 =	sshll.u32 s6, $0x1;
	s3 =	sadd.s32 s4, s19  }
0x9c: {  	s7 =	simm.s32 $0x0;
	s20 =	sshll.u32 s5, $0x1;
	s5 =	sadd.s32 s21, s3  }
0x9d: {  	[timem:s7], [sflag:s22] =	dma.local [hbm:s5], s20  }
0x9e: {  	_ =	swait.ge [sflag:s22], s20  }
0x9f: {  	s4 =	ssub.s32 $0x0, s20;
	[sflag:s22] =	ssyncset.done $0x0  }
0xa0: {  	[sflag:s22] =	ssyncadd.s32 s4;
	_ =	sdelay $0x1  }
0xa1: {  	s23 =	simm.s32 $0x1B8B  }
0xa2: {  	_ =	swait.ge [sflag:s23], $0x1  }
0xa3: {  	[sflag:s23] =	ssyncset.done $0x0  }
0xa4: {  	s25 =	simm.s32 $0x1B8E;
	s24 =	sld [smem:$0x3FFE];
	[sflag:s23] =	ssyncadd.s32 $0xFFFFFFFF  }
0xa5: {  	s26 =	simm.s32 $execute0_lowered;
	[smem:$0x3FD2] =	sst s25  }
0xa6: {  	s5 =	sshll.u32 s26, $0x1;
	_ =	strace $0x80000049;
	[dreg:$0x1] =	wrdreg $0xFFFFFFFF  }
0xa7: {  	s28 =	simm.s32 $_size_execute0_lowered;
	s3 =	sadd.s32 s3, s5;
	[dreg:$0x0] =	wrdreg $0x0  }
0xa8: {  	s5 =	sshll.u32 s28, $0x1;
	[dreg:$0x2] =	wrdreg s3  }
0xa9: {  	[dreg:$0x3] =	wrdreg s5  }
0xaa: {  	[dreg:$0x4] =	wrdreg $0xC0  }
0xab: {  	_ =	task [dreg:s7], $0x5FFFF  }
0xac: {  	[dreg:$0x1] =	wrdreg $0xFFFFFFFF  }
0xad: {  	[dreg:$0x0] =	wrdreg $0x60  }
0xae: {  	[dreg:$0x2] =	wrdreg s24  }
0xaf: {  	[dreg:$0x3] =	wrdreg s2  }
0xb0: {  	[dreg:$0x4] =	wrdreg $0x62200  }
0xb1: {  	[dreg:$0x5] =	wrdreg $0x9  }
0xb2: {  	_ =	task.clear_ibuf [dreg:s7], $0x6FFFF;
	_ =	strace $0x90000049  }
0xb3: {  	s29 =	simm.s32 $0x9;
	_ =	strace $0x8000004B  }
0xb4: {  	_ =	swait.ge [sflag:s29], $0x1  }
0xb5: {  	[sflag:s29] =	ssyncadd.s32 $0xFFFFFFFF  }
0xb6: {  	_ =	strace $0x9000004B  }
0xb7: {  	_ =	sfence  }
0xb8: {  	s30 =	sld [smem:$0x0];
	_ =	sdelay $0x2  }
0xb9: {  	s31 =	sshll.u32 s1, $0xD;
	s1 =	sshrl.u32 s1, $0x2  }
0xba: {  	s3 =	sand.u32 $0x4000, s31;
	s1 =	sadd.s32 s1, s30  }
0xbb: {  	s0 =	sor.u32 s3, s0;
	s1 =	sshll.u32 s1, $0x11  }
0xbc: {  	s0 =	sor.u32 s1, s0  }
0xbd: {  	s0 =	sadd.s32 $0x8F2B, s0  }
0xbe: {  	[sflag:s0] =	ssyncadd.remote.s32 $0x1  }
0xbf: {  	_ =	sfence.sel $0xFFFF  }
0xc0: {  	[dreg:$0x0] =	wrdreg $0xFFFFFFFF;
	(pc) =	sbr.abs _section_cstart, $3  }
0xc1: {  	[dreg:$0x1] =	wrdreg $0xFFFFFFFF  }
0xc2: {  	_ =	task.clear_ibuf [dreg:s7], $0x2FFFF;
	_ =	strace $0x9FFFFFFF  }
0xc3: {  	(tm) =	ssettm $0x7FFFFFFF  }
tec
execute0_lowered:
.L_overlay_start_1:
0x0: {  	(tag) =	ssettag $0x1  }
0x1: {  	s5 =	rddreg [dreg:$0x0]  }
0x2: {  	s0 =	srdreg.scid;
	s7 =	rddreg [dreg:$0x1]  }
0x3: {  	s2 =	rddreg [dreg:$0x2];
	s1 =	stileid.u32;
	s3 =	simm.s32 $0x0  }
0x4: {  	s14 =	simm.s32 $0x50;
	s15 =	simm.s32 $0x4E20;
	s16 =	simm.s32 $0x5820  }
0x5: {  	s17 =	simm.s32 $0x1;
	s18 =	simm.s32 $0x2;
	s19 =	simm.s32 $0x26C0  }
0x6: {  	s20 =	simm.s32 $0x4DD0;
	s6 =	sand.u32 $0x1, s0;
	s0 =	rddreg [dreg:$0x3]  }
0x7: {  	s21 =	simm.s32 $0x0;
	[smem:$0x7FF] =	sst s3;
	s9 =	smul.u32 $0x5000, s1  }
0x8: {  	s13 =	sadd.s32 $0x1F200, s5;
	s31 =	sshll.u32 s1, $0x6;
	s4 =	sshll.u32 s6, $0x4  }
0x9: {  	_ =	strace $0x8000004A;
	s8 =	ssub.s32 $0x2, s6;
	s12 =	smul.u32 $0x50000, s6  }
0xa: {  	p0 =	seq.s32 s6, $0x0;
	s4 =	sor.u32 s1, s4;
	s11 =	sshrl.u32 s8, $0x1  }
0xb: {  	s29 =	sadd.s32 s9, s2;
	s4 =	smul.u32 $0x4E2, s4;
	s8 =	ssub.s32 s8, s11  }
0xc: {  	s30 =	sadd.s32 s9, s12;
	s9 =	sshrl.u32 s9, $0x3;
	s11 =	sshrl.u32 s29, $0x3  }
0xd: {  	s12 =	sshrl.u32 s30, $0x3;
	s8 =	smax.u32 s8, $0x1;
	s10 =	sadd.s32 s4, s5  }
0xe: {  	s4 =	sadd.s32 $0x15200, s5;
	s7 =	sadd.s32 s7, s12;
	s12 =	simm.s32 $0x3  }
0xf: {  	s5 =	sadd.s32 $0xB400, s10;
	s6 =	sadd.s32 $0x1600, s10;
	s13 =	smov.u32 @p0 s4  }
0x10: {  	s10 =	sor.u32 $0x1C03, s31;
	s9 =	sadd.s32 s13, s9;
	s13 =	simm.s32 $0x2710  }
.LBB2_1:
0x11: {  	[spmem:s11], [sflag:s10] =	dma.local [hbm:s9], $0xA00  }
0x12: {  	_ =	swait.ge [sflag:s12], $0xA00  }
0x13: {  	[sflag:s12] =	ssyncset.done $0x0  }
0x14: {  	[sflag:s12] =	ssyncadd.s32 $0xFFFFF600  }
0x15: {  	[tilespmem:s3], [sflag:$0x3] =	stream.linear.gather [hbm4b:s5+s3], $0x2710, $0x38;
	[tilespmem:$0xB220] =	vst v63  }
0x16: {  	_ =	swait.ge [sflag:s12], $0x2710  }
0x17: {  	[sflag:s12] =	ssyncset.done $0x0  }
0x18: {  	[sflag:s12] =	ssyncadd.s32 $0xFFFFD8F0  }
0x19: {  	[tilespmem:s13], [sflag:$0x3] =	stream.linear.gather [hbm4b:s6+s3], $0x2710, $0x38;
	[tilespmem:$0xB220] =	vst v63  }
0x1a: {  	_ =	swait.ge [sflag:s12], $0x2710  }
0x1b: {  	[sflag:s12] =	ssyncset.done $0x0  }
0x1c: {  	[sflag:s12] =	ssyncadd.s32 $0xFFFFD8F0  }
0x1d: {  	s22 =	simm.s32 $0x0;
	[bflag:$0x0] =	sbarrier.arrive $0xFFFF  }
0x1e: {  	[tilespmem:s15], [sflag:$0x1] =	stream.indirect.gather [hbm4b:s4+s14], $0x20, s22, s14, $0xb8;
	[tilespmem:$0xB220] =	vst v63  }
0x1f: {  	s29 =	simm.s32 $0x50  }
0x20: {  	[tilespmem:s16], [sflag:$0x2] =	stream.indirect.gather [hbm4b:s4+s14], $0x20, s29, s14, $0xb8;
	[tilespmem:$0xB220] =	vst v63  }
0x21: {  	_ =	swait.ge [sflag:s17], $0xA00  }
0x22: {  	[sflag:s17] =	ssyncset.done $0x0  }
0x23: {  	s30 =	simm.s32 $0x2710;
	[sflag:s17] =	ssyncadd.s32 $0xFFFFF600  }
0x24: {  	[spmem:s2] =	stream.indirect.scatter.add.f32 [tilespmem:s15], [sflag:$0x3], $0x20, s30, s14, $0xb8;
	[tilespmem:$0xB220] =	vst v63  }
0x25: {  	_ =	swait.ge [sflag:s12], $0xA00  }
0x26: {  	[sflag:s12] =	ssyncset.done $0x0  }
0x27: {  	[sflag:s12] =	ssyncadd.s32 $0xFFFFF600  }
0x28: {  	_ =	swait.ge [sflag:s18], $0xA00  }
0x29: {  	[sflag:s18] =	ssyncset.done $0x0  }
0x2a: {  	s31 =	simm.s32 $0x2760;
	[sflag:s18] =	ssyncadd.s32 $0xFFFFF600  }
0x2b: {  	[spmem:s2] =	stream.indirect.scatter.add.f32 [tilespmem:s16], [sflag:$0x3], $0x20, s31, s14, $0xb8;
	[tilespmem:$0xB220] =	vst v63  }
0x2c: {  	_ =	swait.ge [sflag:s12], $0xA00  }
0x2d: {  	s23 =	simm.s32 $0x500;
	s22 =	simm.s32 $0x280;
	[sflag:s12] =	ssyncset.done $0x0  }
.LBB2_2:
0x2e: {  	s24 =	sshra.s32 s22, $0x2  }
0x2f: {  	[sflag:s12] =	ssyncadd.s32 $0xFFFFF600;
	s22 =	smov.u32 s23;
	s25 =	sadd.s32 $0x280, s23  }
0x30: {  	[tilespmem:s15], [sflag:$0x1] =	stream.indirect.gather [hbm4b:s4+s14], $0x20, s24, s14, $0xb8;
	[tilespmem:$0xB220] =	vst v63  }
0x31: {  	p0 =	sne.s32 s23, $0x9880;
	s23 =	sadd.s32 $0x50, s24  }
0x32: {  	[tilespmem:s16], [sflag:$0x2] =	stream.indirect.gather [hbm4b:s4+s14], $0x20, s23, s14, $0xb8;
	[tilespmem:$0xB220] =	vst v63  }
0x33: {  	_ =	swait.ge [sflag:s17], $0xA00  }
0x34: {  	[sflag:s17] =	ssyncset.done $0x0  }
0x35: {  	s23 =	sadd.s32 $0x2710, s24;
	[sflag:s17] =	ssyncadd.s32 $0xFFFFF600  }
0x36: {  	[spmem:s2] =	stream.indirect.scatter.add.f32 [tilespmem:s15], [sflag:$0x3], $0x20, s23, s14, $0xb8;
	[tilespmem:$0xB220] =	vst v63  }
0x37: {  	_ =	swait.ge [sflag:s12], $0xA00  }
0x38: {  	[sflag:s12] =	ssyncset.done $0x0  }
0x39: {  	[sflag:s12] =	ssyncadd.s32 $0xFFFFF600  }
0x3a: {  	_ =	swait.ge [sflag:s18], $0xA00  }
.Ltmp0:
0x3b: {  	[sflag:s18] =	ssyncset.done $0x0;
	(pc) =	sbr.rel @p0 .LBB2_2-.Ltmp0, $4  }
0x3c: {  	s23 =	sadd.s32 $0x2760, s24;
	[sflag:s18] =	ssyncadd.s32 $0xFFFFF600  }
0x3d: {  	[spmem:s2] =	stream.indirect.scatter.add.f32 [tilespmem:s16], [sflag:$0x3], $0x20, s23, s14, $0xb8;
	[tilespmem:$0xB220] =	vst v63  }
0x3e: {  	_ =	swait.ge [sflag:s12], $0xA00  }
0x3f: {  	s23 =	smov.u32 s25;
	[sflag:s12] =	ssyncset.done $0x0  }
0x40: {  	s22 =	sshra.s32 s22, $0x2;
	[sflag:s12] =	ssyncadd.s32 $0xFFFFF600  }
0x41: {  	[tilespmem:s15], [sflag:$0x1] =	stream.indirect.gather [hbm4b:s4+s14], $0x20, s22, s14, $0xb8;
	[tilespmem:$0xB220] =	vst v63  }
0x42: {  	s23 =	sadd.s32 $0x50, s22  }
0x43: {  	[tilespmem:s16], [sflag:$0x2] =	stream.indirect.gather [hbm4b:s4+s14], $0x20, s23, s14, $0xb8;
	[tilespmem:$0xB220] =	vst v63  }
0x44: {  	_ =	swait.ge [sflag:s17], $0xA00  }
0x45: {  	[sflag:s17] =	ssyncset.done $0x0  }
0x46: {  	s31 =	sadd.s32 $0x2710, s22;
	[sflag:s17] =	ssyncadd.s32 $0xFFFFF600  }
0x47: {  	[spmem:s2] =	stream.indirect.scatter.add.f32 [tilespmem:s15], [sflag:$0x3], $0x20, s31, s14, $0xb8;
	[tilespmem:$0xB220] =	vst v63  }
0x48: {  	_ =	swait.ge [sflag:s12], $0xA00  }
0x49: {  	[sflag:s12] =	ssyncset.done $0x0  }
0x4a: {  	[sflag:s12] =	ssyncadd.s32 $0xFFFFF600  }
0x4b: {  	_ =	swait.ge [sflag:s18], $0xA00  }
0x4c: {  	[sflag:s18] =	ssyncset.done $0x0  }
0x4d: {  	s22 =	sadd.s32 $0x2760, s22;
	[sflag:s18] =	ssyncadd.s32 $0xFFFFF600  }
0x4e: {  	[spmem:s2] =	stream.indirect.scatter.add.f32 [tilespmem:s16], [sflag:$0x3], $0x20, s22, s14, $0xb8;
	[tilespmem:$0xB220] =	vst v63  }
0x4f: {  	_ =	swait.ge [sflag:s12], $0xA00  }
0x50: {  	[sflag:s12] =	ssyncset.done $0x0  }
0x51: {  	[sflag:s12] =	ssyncadd.s32 $0xFFFFF600  }
0x52: {  	[tilespmem:s15], [sflag:$0x1] =	stream.indirect.gather [hbm4b:s4+s14], $0x20, s19, s14, $0xb8;
	[tilespmem:$0xB220] =	vst v63  }
0x53: {  	_ =	swait.ge [sflag:s17], $0xA00  }
0x54: {  	[sflag:s17] =	ssyncset.done $0x0  }
0x55: {  	[sflag:s17] =	ssyncadd.s32 $0xFFFFF600  }
0x56: {  	[spmem:s2] =	stream.indirect.scatter.add.f32 [tilespmem:s15], [sflag:$0x3], $0x20, s20, s14, $0xb8;
	[tilespmem:$0xB220] =	vst v63  }
0x57: {  	_ =	swait.ge [sflag:s12], $0xA00  }
0x58: {  	s21 =	sadd.s32 $0x1, s21;
	[sflag:s12] =	ssyncset.done $0x0  }
0x59: {  	p0 =	sne.s32 s21, s8;
	[sflag:s12] =	ssyncadd.s32 $0xFFFFF600  }
.Ltmp1:
0x5a: {  	[bflag:$0x0] =	sbarrier.arrive $0xFFFF;
	(pc) =	sbr.rel @p0 .LBB2_1-.Ltmp1, $4  }
0x5b: {  	[hbm:s7], [sflag:s10] =	dma.local [spmem:s11], $0xA00  }
0x5c: {  	_ =	swait.ge [sflag:s12], $0xA00  }
0x5d: {  	[sflag:s12] =	ssyncset.done $0x0  }
0x5e: {  	[sflag:s12] =	ssyncadd.s32 $0xFFFFF600  }
0x5f: {  	_ =	sfence.sel $0x180000  }
0x60: {  	[bflag:$0x0] =	sbarrier.arrive $0xFFFF  }
0x61: {  	p0 =	sne.s32 s1, $0x0;
	_ =	strace $0x9000004A  }
0x62: {  	s0 =	sadd.s32 @!p0 $0x100000, s0;
	[bflag:$0x2] =	sbarrier.arrive $0xFFFF  }
0x63: {  	[sflag:s0] =	ssyncadd.tile.s32 @!p0 $0x1;
	_ =	shalt  }
.Lfunc_end2:
_tile_overlayer_lowered:
.L_overlay_start_2:
0x64: {  	(tag) =	ssettag $0x2  }
0x65: {  	s0 =	rddreg [dreg:$0x0];
	s2 =	stileid.u32  }
0x66: {  	s1 =	rddreg [dreg:$0x1];
	p0 =	sne.s32 s2, $0x0  }
0x67: {  	s3 =	rddreg [dreg:$0x2];
	[bflag:$0x3] =	sbarrier.arrive $0xFFFF;
	s2 =	simm.s32 @!p0 $0x1C03  }
0x68: {  	[timem:s3], [sflag:s2] =	dma.local @!p0 [hbm:s0], s1  }
0x69: {  	s0 =	simm.s32 @!p0 $0x3  }
0x6a: {  	_ =	swait.ge @!p0 [sflag:s0], s1  }
0x6b: {  	s1 =	ssub.s32 @!p0 $0x0, s1;
	[sflag:s0] =	ssyncset.done @!p0 $0x0  }
0x6c: {  	[sflag:s0] =	ssyncadd.s32 @!p0 s1  }
0x6d: {  	[bflag:$0x3] =	sbarrier.arrive $0xFFFF  }
0x6e: {  	_ =	shalt  }

// kernel: kernel.14.cloned.1.call-start
scs
__scs_entry_jumppad:
0x0: {  	(pc) =	sbr.rel $0x88, $3  }
0x1: {  	(tag) =	ssettag $0x0;
	lr =	simm.s32 $0x1  }
0x2: {  	[smem:$0x3F9B] =	sst lr;
	_ =	strace $0xD0000000  }
0x3: {  	_ = 	snop  }
0x4: {  	_ = 	snop  }
0x5: {  	_ = 	snop  }
0x6: {  	_ = 	snop  }
0x7: {  	_ = 	snop  }
__scs_overlays_trampoline_lowered:
0x8: {  	[smem:$0x3FAA] =	sst s0  }
0x9: {  	[smem:$0x3FAB] =	sst s1  }
0xa: {  	[smem:$0x3FAC] =	sst s2  }
0xb: {  	[smem:$0x3FAD] =	sst s3  }
0xc: {  	[smem:$0x3FAE] =	sst s4  }
0xd: {  	[smem:$0x3FAF] =	sst s5  }
0xe: {  	[smem:$0x3FB0] =	sst s6  }
0xf: {  	[smem:$0x3FB1] =	sst s7  }
0x10: {  	[smem:$0x3FB2] =	sst s8  }
0x11: {  	[smem:$0x3FB3] =	sst s9;
	s0 =	simm.s32 @!p0 $0x0  }
0x12: {  	s1 =	sld [smem:$0x3F99];
	s0 =	simm.s32 @p0 $0x1  }
0x13: {  	[smem:$0x3FB4] =	sst s0;
	s0 =	simm.s32 @!p1 $0x0  }
0x14: {  	s2 =	sld [smem:$0x3F98];
	s0 =	simm.s32 @p1 $0x1  }
0x15: {  	[smem:$0x3FB5] =	sst s0;
	s0 =	simm.s32 @!p2 $0x0  }
0x16: {  	s3 =	sld [smem:$0x3FDB];
	s0 =	simm.s32 @p2 $0x1  }
0x17: {  	s4 =	simm.s32 $0x1BF5;
	[smem:$0x3FB7] =	sst s0  }
0x18: {  	s0 =	sld [smem:$0x3F9A];
	_ =	swait.ge [sflag:s4], $0x0  }
0x19: {  	s7 =	sld [smem:$0x3F9B]  }
0x1a: {  	s8 =	sadd.s32 $0xFFFFE003, lr  }
0x1b: {  	s9 =	sadd.s32 $0xFFFFFEF7, lr;
	s5 =	simm.s32 $0xFFFFFFFF;
	p2 =	slt.u32 s8, $0xFFFFF086  }
0x1c: {  	p1 =	slt.u32 s9, $0xF7A;
	s5 =	simm.s32 @!p2 $0x0  }
0x1d: {  	s5 =	simm.s32 @p1 $0x1;
	p0 =	seq.s32 s7, s2  }
0x1e: {  	s7 =	smul.u32 @!p0 $0xF7A, s2;
	p2 =	seq.s32 @!p0 s5, $0x0  }
0x1f: {  	s9 =	smul.u32 $0xF7A, s1;
	s8 =	simm.s32 @!p0 $0x1BF5;
	p2 =	por !p2, p0  }
0x20: {  	[sflag:s8] =	ssyncset.s32 @!p0 $0xFFFFF086;
	s6 =	sadd.s32 @!p0 s3, s7;
	s7 =	simm.s32 @!p0 $0x108  }
0x21: {  	s3 =	sadd.s32 s3, s9;
	s6 =	sadd.s32 @!p0 $0x88, s6;
	s7 =	simm.s32 @p2 $0x1082  }
0x22: {  	[simem:s7], [sflag:s8] =	dma.local @!p0 [hbm:s6], $0xF7A  }
0x23: {  	s9 =	sor.u32 $0xD0000000, s2;
	s6 =	simm.s32 $0x108;
	_ =	swait.ge @!p0 [sflag:s8], $0x0  }
0x24: {  	s3 =	sadd.s32 $0x88, s3;
	s6 =	simm.s32 @!p1 $0x1082;
	[sflag:s4] =	ssyncset.s32 $0xFFFFF086  }
0x25: {  	[simem:s6], [sflag:s4] =	dma.local [hbm:s3], $0xF7A  }
0x26: {  	[smem:$0x3F9B] =	sst s1;
	(tag) =	ssettag s2;
	_ =	strace s9  }
0x27: {  	s1 =	sld [smem:$0x3FAB]  }
0x28: {  	s2 =	sld [smem:$0x3FAC]  }
0x29: {  	s4 =	sld [smem:$0x3FAE]  }
0x2a: {  	p0 =	seq.s32 s5, $0x0;
	s5 =	sld [smem:$0x3FAF]  }
0x2b: {  	s6 =	sld [smem:$0x3FB0]  }
0x2c: {  	s7 =	sld [smem:$0x3FB1]  }
0x2d: {  	s3 =	simm.s32 $0x108;
	s8 =	sld [smem:$0x3FB2]  }
0x2e: {  	s3 =	simm.s32 @!p0 $0x1082;
	s9 =	sld [smem:$0x3FB3]  }
0x2f: {  	lr =	sadd.s32 s0, s3;
	s0 =	sld [smem:$0x3FAA]  }
0x30: {  	s3 =	sld [smem:$0x3FAD]  }
0x31: {  	[smem:$0x3FB6] =	sst s10  }
0x32: {  	s10 =	sld [smem:$0x3FB4];
	_ =	sdelay $0x3  }
0x33: {  	p0 =	seq.s32 s10, $0x1;
	s10 =	sld [smem:$0x3FB6];
	_ =	sdelay $0x3  }
0x34: {  	[smem:$0x3FB6] =	sst s10  }
0x35: {  	s10 =	sld [smem:$0x3FB5];
	_ =	sdelay $0x3  }
0x36: {  	p1 =	seq.s32 s10, $0x1;
	s10 =	sld [smem:$0x3FB6];
	_ =	sdelay $0x3  }
0x37: {  	[smem:$0x3FB6] =	sst s10  }
0x38: {  	s10 =	sld [smem:$0x3FB7]  }
0x39: {  	_ = 	snop;
	(pc) =	sbr.ind lr, $3  }
0x3a: {  	_ = 	snop  }
0x3b: {  	_ = 	snop  }
0x3c: {  	p2 =	seq.s32 s10, $0x1;
	s10 =	sld [smem:$0x3FB6]  }
0x3d: {  	_ =	shalt  }
0x3e: {  	_ =	shalt  }
0x3f: {  	_ =	shalt  }
0x40: {  	_ =	shalt  }
0x41: {  	_ =	shalt  }
0x42: {  	_ =	shalt  }
0x43: {  	_ =	shalt  }
0x44: {  	_ =	shalt  }
0x45: {  	_ =	shalt  }
0x46: {  	_ =	shalt  }
0x47: {  	_ =	shalt  }
0x48: {  	_ =	shalt  }
0x49: {  	_ =	shalt  }
0x4a: {  	_ =	shalt  }
0x4b: {  	_ =	shalt  }
0x4c: {  	_ =	shalt  }
0x4d: {  	_ =	shalt  }
0x4e: {  	_ =	shalt  }
0x4f: {  	_ =	shalt  }
0x50: {  	_ =	shalt  }
0x51: {  	_ =	shalt  }
0x52: {  	_ =	shalt  }
0x53: {  	_ =	shalt  }
0x54: {  	_ =	shalt  }
0x55: {  	_ =	shalt  }
0x56: {  	_ =	shalt  }
0x57: {  	_ =	shalt  }
0x58: {  	_ =	shalt  }
0x59: {  	_ =	shalt  }
0x5a: {  	_ =	shalt  }
0x5b: {  	_ =	shalt  }
0x5c: {  	_ =	shalt  }
0x5d: {  	_ =	shalt  }
0x5e: {  	_ =	shalt  }
0x5f: {  	_ =	shalt  }
0x60: {  	_ =	shalt  }
0x61: {  	_ =	shalt  }
0x62: {  	_ =	shalt  }
0x63: {  	_ =	shalt  }
0x64: {  	_ =	shalt  }
0x65: {  	_ =	shalt  }
0x66: {  	_ =	shalt  }
0x67: {  	_ =	shalt  }
0x68: {  	_ =	shalt  }
0x69: {  	_ =	shalt  }
0x6a: {  	_ =	shalt  }
0x6b: {  	_ =	shalt  }
0x6c: {  	_ =	shalt  }
0x6d: {  	_ =	shalt  }
0x6e: {  	_ =	shalt  }
0x6f: {  	_ =	shalt  }
0x70: {  	_ =	shalt  }
0x71: {  	_ =	shalt  }
0x72: {  	_ =	shalt  }
0x73: {  	_ =	shalt  }
0x74: {  	_ =	shalt  }
0x75: {  	_ =	shalt  }
0x76: {  	_ =	shalt  }
0x77: {  	_ =	shalt  }
0x78: {  	_ =	shalt  }
0x79: {  	_ =	shalt  }
0x7a: {  	_ =	shalt  }
0x7b: {  	_ =	shalt  }
0x7c: {  	_ =	shalt  }
0x7d: {  	_ =	shalt  }
0x7e: {  	_ =	shalt  }
0x7f: {  	_ =	shalt  }
0x80: {  	_ =	shalt  }
0x81: {  	_ =	shalt  }
0x82: {  	_ =	shalt  }
0x83: {  	_ =	shalt  }
0x84: {  	_ =	shalt  }
0x85: {  	_ =	shalt  }
0x86: {  	_ =	shalt  }
0x87: {  	_ =	shalt  }
.Lfunc_end0:
.L_simem_size_0:
called_computation.2_lowered:
.L_overlay_start_0:
0x88: {  	s2 =	sld [smem:$0x3FD9]  }
0x89: {  	s3 =	sld [smem:$0x3FFE];
	_ =	sdelay $0x1  }
0x8a: {  	s1 =	srdreg.scid  }
0x8b: {  	s0 =	sand.u32 $0x1, s1  }
0x8c: {  	s17 =	sshll.u32 s0, $0xA;
	s2 =	sadd.s32 s3, s2  }
0x8d: {  	s2 =	sadd.s32 s2, s17  }
0x8e: {  	[smem:$0x3FC2] =	sst s2  }
0x8f: {  	_ = 	snop  }
0x90: {  	s2 =	sld [smem:$0x3FD0];
	(tm) =	ssettm $0x1  }
0x91: {  	s18 =	sld [smem:$0x3FFB];
	_ =	sdelay $0x3  }
0x92: {  	_ =	strace s18  }
0x93: {  	s3 =	sld [smem:$0x3FFC];
	_ =	sdelay $0x3  }
0x94: {  	_ =	strace s3  }
0x95: {  	s3 =	sld [smem:$0x3FFD];
	_ =	sdelay $0x3  }
0x96: {  	_ =	strace s3  }
0x97: {  	_ =	strace $0x8FFFFFFF  }
0x98: {  	s19 =	sld [smem:$0x3FDB];
	_ =	sdelay $0x1  }
0x99: {  	s4 =	simm.s32 $_scs_section_size  }
0x9a: {  	s5 =	simm.s32 $_size__tile_overlayer_lowered;
	s6 =	simm.s32 $_tile_overlayer_lowered  }
0x9b: {  	s22 =	simm.s32 $0x1BFF;
	s21 =	sshll.u32 s6, $0x1;
	s3 =	sadd.s32 s4, s19  }
0x9c: {  	s7 =	simm.s32 $0x0;
	s20 =	sshll.u32 s5, $0x1;
	s5 =	sadd.s32 s21, s3  }
0x9d: {  	[timem:s7], [sflag:s22] =	dma.local [hbm:s5], s20  }
0x9e: {  	_ =	swait.ge [sflag:s22], s20  }
0x9f: {  	s4 =	ssub.s32 $0x0, s20;
	[sflag:s22] =	ssyncset.done $0x0  }
0xa0: {  	[sflag:s22] =	ssyncadd.s32 s4;
	_ =	sdelay $0x1  }
0xa1: {  	s23 =	simm.s32 $0x1B8B  }
0xa2: {  	_ =	swait.ge [sflag:s23], $0x1  }
0xa3: {  	[sflag:s23] =	ssyncset.done $0x0  }
0xa4: {  	s25 =	simm.s32 $0x1B8E;
	s24 =	sld [smem:$0x3FFE];
	[sflag:s23] =	ssyncadd.s32 $0xFFFFFFFF  }
0xa5: {  	s26 =	simm.s32 $execute0_lowered;
	[smem:$0x3FD2] =	sst s25  }
0xa6: {  	s5 =	sshll.u32 s26, $0x1;
	_ =	strace $0x8000004C;
	[dreg:$0x1] =	wrdreg $0xFFFFFFFF  }
0xa7: {  	s28 =	simm.s32 $_size_execute0_lowered;
	s3 =	sadd.s32 s3, s5;
	[dreg:$0x0] =	wrdreg $0x0  }
0xa8: {  	s5 =	sshll.u32 s28, $0x1;
	[dreg:$0x2] =	wrdreg s3  }
0xa9: {  	[dreg:$0x3] =	wrdreg s5  }
0xaa: {  	[dreg:$0x4] =	wrdreg $0xC0  }
0xab: {  	_ =	task [dreg:s7], $0x5FFFF  }
0xac: {  	[dreg:$0x1] =	wrdreg $0xFFFFFFFF  }
0xad: {  	[dreg:$0x0] =	wrdreg $0x60  }
0xae: {  	[dreg:$0x2] =	wrdreg s24  }
0xaf: {  	[dreg:$0x3] =	wrdreg s2  }
0xb0: {  	[dreg:$0x4] =	wrdreg $0x62200  }
0xb1: {  	[dreg:$0x5] =	wrdreg $0x9  }
0xb2: {  	_ =	task.clear_ibuf [dreg:s7], $0x6FFFF;
	_ =	strace $0x9000004C  }
0xb3: {  	s29 =	simm.s32 $0x9;
	_ =	strace $0x8000004E  }
0xb4: {  	_ =	swait.ge [sflag:s29], $0x1  }
0xb5: {  	[sflag:s29] =	ssyncadd.s32 $0xFFFFFFFF  }
0xb6: {  	_ =	strace $0x9000004E  }
0xb7: {  	_ =	sfence  }
0xb8: {  	s30 =	sld [smem:$0x0];
	_ =	sdelay $0x2  }
0xb9: {  	s31 =	sshll.u32 s1, $0xD;
	s1 =	sshrl.u32 s1, $0x2  }
0xba: {  	s3 =	sand.u32 $0x4000, s31;
	s1 =	sadd.s32 s1, s30  }
0xbb: {  	s0 =	sor.u32 s3, s0;
	s1 =	sshll.u32 s1, $0x11  }
0xbc: {  	s0 =	sor.u32 s1, s0  }
0xbd: {  	s0 =	sadd.s32 $0x8F2B, s0  }
0xbe: {  	[sflag:s0] =	ssyncadd.remote.s32 $0x1  }
0xbf: {  	_ =	sfence.sel $0xFFFF  }
0xc0: {  	[dreg:$0x0] =	wrdreg $0xFFFFFFFF;
	(pc) =	sbr.abs _section_cstart, $3  }
0xc1: {  	[dreg:$0x1] =	wrdreg $0xFFFFFFFF  }
0xc2: {  	_ =	task.clear_ibuf [dreg:s7], $0x2FFFF;
	_ =	strace $0x9FFFFFFF  }
0xc3: {  	(tm) =	ssettm $0x7FFFFFFF  }
tec
execute0_lowered:
.L_overlay_start_1:
0x0: {  	(tag) =	ssettag $0x1  }
0x1: {  	s5 =	rddreg [dreg:$0x0]  }
0x2: {  	s0 =	srdreg.scid;
	s7 =	rddreg [dreg:$0x1]  }
0x3: {  	s2 =	rddreg [dreg:$0x2];
	s1 =	stileid.u32;
	s3 =	simm.s32 $0x0  }
0x4: {  	s14 =	simm.s32 $0x50;
	s15 =	simm.s32 $0x4E20;
	s16 =	simm.s32 $0x5820  }
0x5: {  	s17 =	simm.s32 $0x1;
	s18 =	simm.s32 $0x2;
	s19 =	simm.s32 $0x26C0  }
0x6: {  	s20 =	simm.s32 $0x4DD0;
	s6 =	sand.u32 $0x1, s0;
	s0 =	rddreg [dreg:$0x3]  }
0x7: {  	s21 =	simm.s32 $0x0;
	[smem:$0x7FF] =	sst s3;
	s9 =	smul.u32 $0x5000, s1  }
0x8: {  	s13 =	sadd.s32 $0x1F200, s5;
	s31 =	sshll.u32 s1, $0x6;
	s4 =	sshll.u32 s6, $0x4  }
0x9: {  	_ =	strace $0x8000004D;
	s8 =	ssub.s32 $0x2, s6;
	s12 =	smul.u32 $0x50000, s6  }
0xa: {  	p0 =	seq.s32 s6, $0x0;
	s4 =	sor.u32 s1, s4;
	s11 =	sshrl.u32 s8, $0x1  }
0xb: {  	s29 =	sadd.s32 s9, s2;
	s4 =	smul.u32 $0x4E2, s4;
	s8 =	ssub.s32 s8, s11  }
0xc: {  	s30 =	sadd.s32 s9, s12;
	s9 =	sshrl.u32 s9, $0x3;
	s11 =	sshrl.u32 s29, $0x3  }
0xd: {  	s12 =	sshrl.u32 s30, $0x3;
	s8 =	smax.u32 s8, $0x1;
	s10 =	sadd.s32 s4, s5  }
0xe: {  	s4 =	sadd.s32 $0x15200, s5;
	s7 =	sadd.s32 s7, s12;
	s12 =	simm.s32 $0x3  }
0xf: {  	s5 =	sadd.s32 $0xB400, s10;
	s6 =	sadd.s32 $0x1600, s10;
	s13 =	smov.u32 @p0 s4  }
0x10: {  	s10 =	sor.u32 $0x1C03, s31;
	s9 =	sadd.s32 s13, s9;
	s13 =	simm.s32 $0x2710  }
.LBB2_1:
0x11: {  	[spmem:s11], [sflag:s10] =	dma.local [hbm:s9], $0xA00  }
0x12: {  	_ =	swait.ge [sflag:s12], $0xA00  }
0x13: {  	[sflag:s12] =	ssyncset.done $0x0  }
0x14: {  	[sflag:s12] =	ssyncadd.s32 $0xFFFFF600  }
0x15: {  	[tilespmem:s3], [sflag:$0x3] =	stream.linear.gather [hbm4b:s5+s3], $0x2710, $0x38;
	[tilespmem:$0xB220] =	vst v63  }
0x16: {  	_ =	swait.ge [sflag:s12], $0x2710  }
0x17: {  	[sflag:s12] =	ssyncset.done $0x0  }
0x18: {  	[sflag:s12] =	ssyncadd.s32 $0xFFFFD8F0  }
0x19: {  	[tilespmem:s13], [sflag:$0x3] =	stream.linear.gather [hbm4b:s6+s3], $0x2710, $0x38;
	[tilespmem:$0xB220] =	vst v63  }
0x1a: {  	_ =	swait.ge [sflag:s12], $0x2710  }
0x1b: {  	[sflag:s12] =	ssyncset.done $0x0  }
0x1c: {  	[sflag:s12] =	ssyncadd.s32 $0xFFFFD8F0  }
0x1d: {  	s22 =	simm.s32 $0x0;
	[bflag:$0x0] =	sbarrier.arrive $0xFFFF  }
0x1e: {  	[tilespmem:s15], [sflag:$0x1] =	stream.indirect.gather [hbm4b:s4+s14], $0x20, s22, s14, $0xb8;
	[tilespmem:$0xB220] =	vst v63  }
0x1f: {  	s29 =	simm.s32 $0x50  }
0x20: {  	[tilespmem:s16], [sflag:$0x2] =	stream.indirect.gather [hbm4b:s4+s14], $0x20, s29, s14, $0xb8;
	[tilespmem:$0xB220] =	vst v63  }
0x21: {  	_ =	swait.ge [sflag:s17], $0xA00  }
0x22: {  	[sflag:s17] =	ssyncset.done $0x0  }
0x23: {  	s30 =	simm.s32 $0x2710;
	[sflag:s17] =	ssyncadd.s32 $0xFFFFF600  }
0x24: {  	[spmem:s2] =	stream.indirect.scatter.add.f32 [tilespmem:s15], [sflag:$0x3], $0x20, s30, s14, $0xb8;
	[tilespmem:$0xB220] =	vst v63  }
0x25: {  	_ =	swait.ge [sflag:s12], $0xA00  }
0x26: {  	[sflag:s12] =	ssyncset.done $0x0  }
0x27: {  	[sflag:s12] =	ssyncadd.s32 $0xFFFFF600  }
0x28: {  	_ =	swait.ge [sflag:s18], $0xA00  }
0x29: {  	[sflag:s18] =	ssyncset.done $0x0  }
0x2a: {  	s31 =	simm.s32 $0x2760;
	[sflag:s18] =	ssyncadd.s32 $0xFFFFF600  }
0x2b: {  	[spmem:s2] =	stream.indirect.scatter.add.f32 [tilespmem:s16], [sflag:$0x3], $0x20, s31, s14, $0xb8;
	[tilespmem:$0xB220] =	vst v63  }
0x2c: {  	_ =	swait.ge [sflag:s12], $0xA00  }
0x2d: {  	s23 =	simm.s32 $0x500;
	s22 =	simm.s32 $0x280;
	[sflag:s12] =	ssyncset.done $0x0  }
.LBB2_2:
0x2e: {  	s24 =	sshra.s32 s22, $0x2  }
0x2f: {  	[sflag:s12] =	ssyncadd.s32 $0xFFFFF600;
	s22 =	smov.u32 s23;
	s25 =	sadd.s32 $0x280, s23  }
0x30: {  	[tilespmem:s15], [sflag:$0x1] =	stream.indirect.gather [hbm4b:s4+s14], $0x20, s24, s14, $0xb8;
	[tilespmem:$0xB220] =	vst v63  }
0x31: {  	p0 =	sne.s32 s23, $0x9880;
	s23 =	sadd.s32 $0x50, s24  }
0x32: {  	[tilespmem:s16], [sflag:$0x2] =	stream.indirect.gather [hbm4b:s4+s14], $0x20, s23, s14, $0xb8;
	[tilespmem:$0xB220] =	vst v63  }
0x33: {  	_ =	swait.ge [sflag:s17], $0xA00  }
0x34: {  	[sflag:s17] =	ssyncset.done $0x0  }
0x35: {  	s23 =	sadd.s32 $0x2710, s24;
	[sflag:s17] =	ssyncadd.s32 $0xFFFFF600  }
0x36: {  	[spmem:s2] =	stream.indirect.scatter.add.f32 [tilespmem:s15], [sflag:$0x3], $0x20, s23, s14, $0xb8;
	[tilespmem:$0xB220] =	vst v63  }
0x37: {  	_ =	swait.ge [sflag:s12], $0xA00  }
0x38: {  	[sflag:s12] =	ssyncset.done $0x0  }
0x39: {  	[sflag:s12] =	ssyncadd.s32 $0xFFFFF600  }
0x3a: {  	_ =	swait.ge [sflag:s18], $0xA00  }
.Ltmp0:
0x3b: {  	[sflag:s18] =	ssyncset.done $0x0;
	(pc) =	sbr.rel @p0 .LBB2_2-.Ltmp0, $4  }
0x3c: {  	s23 =	sadd.s32 $0x2760, s24;
	[sflag:s18] =	ssyncadd.s32 $0xFFFFF600  }
0x3d: {  	[spmem:s2] =	stream.indirect.scatter.add.f32 [tilespmem:s16], [sflag:$0x3], $0x20, s23, s14, $0xb8;
	[tilespmem:$0xB220] =	vst v63  }
0x3e: {  	_ =	swait.ge [sflag:s12], $0xA00  }
0x3f: {  	s23 =	smov.u32 s25;
	[sflag:s12] =	ssyncset.done $0x0  }
0x40: {  	s22 =	sshra.s32 s22, $0x2;
	[sflag:s12] =	ssyncadd.s32 $0xFFFFF600  }
0x41: {  	[tilespmem:s15], [sflag:$0x1] =	stream.indirect.gather [hbm4b:s4+s14], $0x20, s22, s14, $0xb8;
	[tilespmem:$0xB220] =	vst v63  }
0x42: {  	s23 =	sadd.s32 $0x50, s22  }
0x43: {  	[tilespmem:s16], [sflag:$0x2] =	stream.indirect.gather [hbm4b:s4+s14], $0x20, s23, s14, $0xb8;
	[tilespmem:$0xB220] =	vst v63  }
0x44: {  	_ =	swait.ge [sflag:s17], $0xA00  }
0x45: {  	[sflag:s17] =	ssyncset.done $0x0  }
0x46: {  	s31 =	sadd.s32 $0x2710, s22;
	[sflag:s17] =	ssyncadd.s32 $0xFFFFF600  }
0x47: {  	[spmem:s2] =	stream.indirect.scatter.add.f32 [tilespmem:s15], [sflag:$0x3], $0x20, s31, s14, $0xb8;
	[tilespmem:$0xB220] =	vst v63  }
0x48: {  	_ =	swait.ge [sflag:s12], $0xA00  }
0x49: {  	[sflag:s12] =	ssyncset.done $0x0  }
0x4a: {  	[sflag:s12] =	ssyncadd.s32 $0xFFFFF600  }
0x4b: {  	_ =	swait.ge [sflag:s18], $0xA00  }
0x4c: {  	[sflag:s18] =	ssyncset.done $0x0  }
0x4d: {  	s22 =	sadd.s32 $0x2760, s22;
	[sflag:s18] =	ssyncadd.s32 $0xFFFFF600  }
0x4e: {  	[spmem:s2] =	stream.indirect.scatter.add.f32 [tilespmem:s16], [sflag:$0x3], $0x20, s22, s14, $0xb8;
	[tilespmem:$0xB220] =	vst v63  }
0x4f: {  	_ =	swait.ge [sflag:s12], $0xA00  }
0x50: {  	[sflag:s12] =	ssyncset.done $0x0  }
0x51: {  	[sflag:s12] =	ssyncadd.s32 $0xFFFFF600  }
0x52: {  	[tilespmem:s15], [sflag:$0x1] =	stream.indirect.gather [hbm4b:s4+s14], $0x20, s19, s14, $0xb8;
	[tilespmem:$0xB220] =	vst v63  }
0x53: {  	_ =	swait.ge [sflag:s17], $0xA00  }
0x54: {  	[sflag:s17] =	ssyncset.done $0x0  }
0x55: {  	[sflag:s17] =	ssyncadd.s32 $0xFFFFF600  }
0x56: {  	[spmem:s2] =	stream.indirect.scatter.add.f32 [tilespmem:s15], [sflag:$0x3], $0x20, s20, s14, $0xb8;
	[tilespmem:$0xB220] =	vst v63  }
0x57: {  	_ =	swait.ge [sflag:s12], $0xA00  }
0x58: {  	s21 =	sadd.s32 $0x1, s21;
	[sflag:s12] =	ssyncset.done $0x0  }
0x59: {  	p0 =	sne.s32 s21, s8;
	[sflag:s12] =	ssyncadd.s32 $0xFFFFF600  }
.Ltmp1:
0x5a: {  	[bflag:$0x0] =	sbarrier.arrive $0xFFFF;
	(pc) =	sbr.rel @p0 .LBB2_1-.Ltmp1, $4  }
0x5b: {  	[hbm:s7], [sflag:s10] =	dma.local [spmem:s11], $0xA00  }
0x5c: {  	_ =	swait.ge [sflag:s12], $0xA00  }
0x5d: {  	[sflag:s12] =	ssyncset.done $0x0  }
0x5e: {  	[sflag:s12] =	ssyncadd.s32 $0xFFFFF600  }
0x5f: {  	_ =	sfence.sel $0x180000  }
0x60: {  	[bflag:$0x0] =	sbarrier.arrive $0xFFFF  }
0x61: {  	p0 =	sne.s32 s1, $0x0;
	_ =	strace $0x9000004D  }
0x62: {  	s0 =	sadd.s32 @!p0 $0x100000, s0;
	[bflag:$0x2] =	sbarrier.arrive $0xFFFF  }
0x63: {  	[sflag:s0] =	ssyncadd.tile.s32 @!p0 $0x1;
	_ =	shalt  }
.Lfunc_end2:
_tile_overlayer_lowered:
.L_overlay_start_2:
0x64: {  	(tag) =	ssettag $0x2  }
0x65: {  	s0 =	rddreg [dreg:$0x0];
	s2 =	stileid.u32  }
0x66: {  	s1 =	rddreg [dreg:$0x1];
	p0 =	sne.s32 s2, $0x0  }
0x67: {  	s3 =	rddreg [dreg:$0x2];
	[bflag:$0x3] =	sbarrier.arrive $0xFFFF;
	s2 =	simm.s32 @!p0 $0x1C03  }
0x68: {  	[timem:s3], [sflag:s2] =	dma.local @!p0 [hbm:s0], s1  }
0x69: {  	s0 =	simm.s32 @!p0 $0x3  }
0x6a: {  	_ =	swait.ge @!p0 [sflag:s0], s1  }
0x6b: {  	s1 =	ssub.s32 @!p0 $0x0, s1;
	[sflag:s0] =	ssyncset.done @!p0 $0x0  }
0x6c: {  	[sflag:s0] =	ssyncadd.s32 @!p0 s1  }
0x6d: {  	[bflag:$0x3] =	sbarrier.arrive $0xFFFF  }
0x6e: {  	_ =	shalt  }

// kernel: kernel.8.cloned.1.call-start
scs
__scs_entry_jumppad:
0x0: {  	(pc) =	sbr.rel $0x88, $3  }
0x1: {  	(tag) =	ssettag $0x0;
	lr =	simm.s32 $0x1  }
0x2: {  	[smem:$0x3F9B] =	sst lr;
	_ =	strace $0xD0000000  }
0x3: {  	_ = 	snop  }
0x4: {  	_ = 	snop  }
0x5: {  	_ = 	snop  }
0x6: {  	_ = 	snop  }
0x7: {  	_ = 	snop  }
__scs_overlays_trampoline_lowered:
0x8: {  	[smem:$0x3FAA] =	sst s0  }
0x9: {  	[smem:$0x3FAB] =	sst s1  }
0xa: {  	[smem:$0x3FAC] =	sst s2  }
0xb: {  	[smem:$0x3FAD] =	sst s3  }
0xc: {  	[smem:$0x3FAE] =	sst s4  }
0xd: {  	[smem:$0x3FAF] =	sst s5  }
0xe: {  	[smem:$0x3FB0] =	sst s6  }
0xf: {  	[smem:$0x3FB1] =	sst s7  }
0x10: {  	[smem:$0x3FB2] =	sst s8  }
0x11: {  	[smem:$0x3FB3] =	sst s9;
	s0 =	simm.s32 @!p0 $0x0  }
0x12: {  	s1 =	sld [smem:$0x3F99];
	s0 =	simm.s32 @p0 $0x1  }
0x13: {  	[smem:$0x3FB4] =	sst s0;
	s0 =	simm.s32 @!p1 $0x0  }
0x14: {  	s2 =	sld [smem:$0x3F98];
	s0 =	simm.s32 @p1 $0x1  }
0x15: {  	[smem:$0x3FB5] =	sst s0;
	s0 =	simm.s32 @!p2 $0x0  }
0x16: {  	s3 =	sld [smem:$0x3FDB];
	s0 =	simm.s32 @p2 $0x1  }
0x17: {  	s4 =	simm.s32 $0x1BF5;
	[smem:$0x3FB7] =	sst s0  }
0x18: {  	s0 =	sld [smem:$0x3F9A];
	_ =	swait.ge [sflag:s4], $0x0  }
0x19: {  	s7 =	sld [smem:$0x3F9B]  }
0x1a: {  	s8 =	sadd.s32 $0xFFFFE003, lr  }
0x1b: {  	s9 =	sadd.s32 $0xFFFFFEF7, lr;
	s5 =	simm.s32 $0xFFFFFFFF;
	p2 =	slt.u32 s8, $0xFFFFF086  }
0x1c: {  	p1 =	slt.u32 s9, $0xF7A;
	s5 =	simm.s32 @!p2 $0x0  }
0x1d: {  	s5 =	simm.s32 @p1 $0x1;
	p0 =	seq.s32 s7, s2  }
0x1e: {  	s7 =	smul.u32 @!p0 $0xF7A, s2;
	p2 =	seq.s32 @!p0 s5, $0x0  }
0x1f: {  	s9 =	smul.u32 $0xF7A, s1;
	s8 =	simm.s32 @!p0 $0x1BF5;
	p2 =	por !p2, p0  }
0x20: {  	[sflag:s8] =	ssyncset.s32 @!p0 $0xFFFFF086;
	s6 =	sadd.s32 @!p0 s3, s7;
	s7 =	simm.s32 @!p0 $0x108  }
0x21: {  	s3 =	sadd.s32 s3, s9;
	s6 =	sadd.s32 @!p0 $0x88, s6;
	s7 =	simm.s32 @p2 $0x1082  }
0x22: {  	[simem:s7], [sflag:s8] =	dma.local @!p0 [hbm:s6], $0xF7A  }
0x23: {  	s9 =	sor.u32 $0xD0000000, s2;
	s6 =	simm.s32 $0x108;
	_ =	swait.ge @!p0 [sflag:s8], $0x0  }
0x24: {  	s3 =	sadd.s32 $0x88, s3;
	s6 =	simm.s32 @!p1 $0x1082;
	[sflag:s4] =	ssyncset.s32 $0xFFFFF086  }
0x25: {  	[simem:s6], [sflag:s4] =	dma.local [hbm:s3], $0xF7A  }
0x26: {  	[smem:$0x3F9B] =	sst s1;
	(tag) =	ssettag s2;
	_ =	strace s9  }
0x27: {  	s1 =	sld [smem:$0x3FAB]  }
0x28: {  	s2 =	sld [smem:$0x3FAC]  }
0x29: {  	s4 =	sld [smem:$0x3FAE]  }
0x2a: {  	p0 =	seq.s32 s5, $0x0;
	s5 =	sld [smem:$0x3FAF]  }
0x2b: {  	s6 =	sld [smem:$0x3FB0]  }
0x2c: {  	s7 =	sld [smem:$0x3FB1]  }
0x2d: {  	s3 =	simm.s32 $0x108;
	s8 =	sld [smem:$0x3FB2]  }
0x2e: {  	s3 =	simm.s32 @!p0 $0x1082;
	s9 =	sld [smem:$0x3FB3]  }
0x2f: {  	lr =	sadd.s32 s0, s3;
	s0 =	sld [smem:$0x3FAA]  }
0x30: {  	s3 =	sld [smem:$0x3FAD]  }
0x31: {  	[smem:$0x3FB6] =	sst s10  }
0x32: {  	s10 =	sld [smem:$0x3FB4];
	_ =	sdelay $0x3  }
0x33: {  	p0 =	seq.s32 s10, $0x1;
	s10 =	sld [smem:$0x3FB6];
	_ =	sdelay $0x3  }
0x34: {  	[smem:$0x3FB6] =	sst s10  }
0x35: {  	s10 =	sld [smem:$0x3FB5];
	_ =	sdelay $0x3  }
0x36: {  	p1 =	seq.s32 s10, $0x1;
	s10 =	sld [smem:$0x3FB6];
	_ =	sdelay $0x3  }
0x37: {  	[smem:$0x3FB6] =	sst s10  }
0x38: {  	s10 =	sld [smem:$0x3FB7]  }
0x39: {  	_ = 	snop;
	(pc) =	sbr.ind lr, $3  }
0x3a: {  	_ = 	snop  }
0x3b: {  	_ = 	snop  }
0x3c: {  	p2 =	seq.s32 s10, $0x1;
	s10 =	sld [smem:$0x3FB6]  }
0x3d: {  	_ =	shalt  }
0x3e: {  	_ =	shalt  }
0x3f: {  	_ =	shalt  }
0x40: {  	_ =	shalt  }
0x41: {  	_ =	shalt  }
0x42: {  	_ =	shalt  }
0x43: {  	_ =	shalt  }
0x44: {  	_ =	shalt  }
0x45: {  	_ =	shalt  }
0x46: {  	_ =	shalt  }
0x47: {  	_ =	shalt  }
0x48: {  	_ =	shalt  }
0x49: {  	_ =	shalt  }
0x4a: {  	_ =	shalt  }
0x4b: {  	_ =	shalt  }
0x4c: {  	_ =	shalt  }
0x4d: {  	_ =	shalt  }
0x4e: {  	_ =	shalt  }
0x4f: {  	_ =	shalt  }
0x50: {  	_ =	shalt  }
0x51: {  	_ =	shalt  }
0x52: {  	_ =	shalt  }
0x53: {  	_ =	shalt  }
0x54: {  	_ =	shalt  }
0x55: {  	_ =	shalt  }
0x56: {  	_ =	shalt  }
0x57: {  	_ =	shalt  }
0x58: {  	_ =	shalt  }
0x59: {  	_ =	shalt  }
0x5a: {  	_ =	shalt  }
0x5b: {  	_ =	shalt  }
0x5c: {  	_ =	shalt  }
0x5d: {  	_ =	shalt  }
0x5e: {  	_ =	shalt  }
0x5f: {  	_ =	shalt  }
0x60: {  	_ =	shalt  }
0x61: {  	_ =	shalt  }
0x62: {  	_ =	shalt  }
0x63: {  	_ =	shalt  }
0x64: {  	_ =	shalt  }
0x65: {  	_ =	shalt  }
0x66: {  	_ =	shalt  }
0x67: {  	_ =	shalt  }
0x68: {  	_ =	shalt  }
0x69: {  	_ =	shalt  }
0x6a: {  	_ =	shalt  }
0x6b: {  	_ =	shalt  }
0x6c: {  	_ =	shalt  }
0x6d: {  	_ =	shalt  }
0x6e: {  	_ =	shalt  }
0x6f: {  	_ =	shalt  }
0x70: {  	_ =	shalt  }
0x71: {  	_ =	shalt  }
0x72: {  	_ =	shalt  }
0x73: {  	_ =	shalt  }
0x74: {  	_ =	shalt  }
0x75: {  	_ =	shalt  }
0x76: {  	_ =	shalt  }
0x77: {  	_ =	shalt  }
0x78: {  	_ =	shalt  }
0x79: {  	_ =	shalt  }
0x7a: {  	_ =	shalt  }
0x7b: {  	_ =	shalt  }
0x7c: {  	_ =	shalt  }
0x7d: {  	_ =	shalt  }
0x7e: {  	_ =	shalt  }
0x7f: {  	_ =	shalt  }
0x80: {  	_ =	shalt  }
0x81: {  	_ =	shalt  }
0x82: {  	_ =	shalt  }
0x83: {  	_ =	shalt  }
0x84: {  	_ =	shalt  }
0x85: {  	_ =	shalt  }
0x86: {  	_ =	shalt  }
0x87: {  	_ =	shalt  }
.Lfunc_end0:
.L_simem_size_0:
called_computation_lowered:
.L_overlay_start_0:
0x88: {  	s2 =	sld [smem:$0x3FD9]  }
0x89: {  	s3 =	sld [smem:$0x3FFE];
	_ =	sdelay $0x1  }
0x8a: {  	s1 =	srdreg.scid  }
0x8b: {  	s0 =	sand.u32 $0x1, s1  }
0x8c: {  	s17 =	sshll.u32 s0, $0xA;
	s2 =	sadd.s32 s3, s2  }
0x8d: {  	s2 =	sadd.s32 s2, s17  }
0x8e: {  	[smem:$0x3FC2] =	sst s2  }
0x8f: {  	_ = 	snop  }
0x90: {  	s2 =	sld [smem:$0x3FD0];
	(tm) =	ssettm $0x1  }
0x91: {  	s18 =	sld [smem:$0x3FFB];
	_ =	sdelay $0x3  }
0x92: {  	_ =	strace s18  }
0x93: {  	s3 =	sld [smem:$0x3FFC];
	_ =	sdelay $0x3  }
0x94: {  	_ =	strace s3  }
0x95: {  	s3 =	sld [smem:$0x3FFD];
	_ =	sdelay $0x3  }
0x96: {  	_ =	strace s3  }
0x97: {  	_ =	strace $0x8FFFFFFF  }
0x98: {  	s19 =	sld [smem:$0x3FDB];
	_ =	sdelay $0x1  }
0x99: {  	s4 =	simm.s32 $_scs_section_size  }
0x9a: {  	s5 =	simm.s32 $_size__tile_overlayer_lowered;
	s6 =	simm.s32 $_tile_overlayer_lowered  }
0x9b: {  	s22 =	simm.s32 $0x1BFF;
	s21 =	sshll.u32 s6, $0x1;
	s3 =	sadd.s32 s4, s19  }
0x9c: {  	s7 =	simm.s32 $0x0;
	s20 =	sshll.u32 s5, $0x1;
	s5 =	sadd.s32 s21, s3  }
0x9d: {  	[timem:s7], [sflag:s22] =	dma.local [hbm:s5], s20  }
0x9e: {  	_ =	swait.ge [sflag:s22], s20  }
0x9f: {  	s4 =	ssub.s32 $0x0, s20;
	[sflag:s22] =	ssyncset.done $0x0  }
0xa0: {  	[sflag:s22] =	ssyncadd.s32 s4;
	_ =	sdelay $0x1  }
0xa1: {  	s23 =	simm.s32 $0x1B8B  }
0xa2: {  	_ =	swait.ge [sflag:s23], $0x1  }
0xa3: {  	[sflag:s23] =	ssyncset.done $0x0  }
0xa4: {  	s25 =	simm.s32 $0x1B8E;
	s24 =	sld [smem:$0x3FFE];
	[sflag:s23] =	ssyncadd.s32 $0xFFFFFFFF  }
0xa5: {  	s26 =	simm.s32 $execute0_lowered;
	[smem:$0x3FD2] =	sst s25  }
0xa6: {  	s5 =	sshll.u32 s26, $0x1;
	_ =	strace $0x80000046;
	[dreg:$0x1] =	wrdreg $0xFFFFFFFF  }
0xa7: {  	s28 =	simm.s32 $_size_execute0_lowered;
	s3 =	sadd.s32 s3, s5;
	[dreg:$0x0] =	wrdreg $0x0  }
0xa8: {  	s5 =	sshll.u32 s28, $0x1;
	[dreg:$0x2] =	wrdreg s3  }
0xa9: {  	[dreg:$0x3] =	wrdreg s5  }
0xaa: {  	[dreg:$0x4] =	wrdreg $0xC0  }
0xab: {  	_ =	task [dreg:s7], $0x5FFFF  }
0xac: {  	[dreg:$0x1] =	wrdreg $0xFFFFFFFF  }
0xad: {  	[dreg:$0x0] =	wrdreg $0x60  }
0xae: {  	[dreg:$0x2] =	wrdreg s24  }
0xaf: {  	[dreg:$0x3] =	wrdreg s2  }
0xb0: {  	[dreg:$0x4] =	wrdreg $0x29900  }
0xb1: {  	[dreg:$0x5] =	wrdreg $0x9  }
0xb2: {  	_ =	task.clear_ibuf [dreg:s7], $0x6FFFF;
	_ =	strace $0x90000046  }
0xb3: {  	s29 =	simm.s32 $0x9;
	_ =	strace $0x80000048  }
0xb4: {  	_ =	swait.ge [sflag:s29], $0x1  }
0xb5: {  	[sflag:s29] =	ssyncadd.s32 $0xFFFFFFFF  }
0xb6: {  	_ =	strace $0x90000048  }
0xb7: {  	_ =	sfence  }
0xb8: {  	s30 =	sld [smem:$0x0];
	_ =	sdelay $0x2  }
0xb9: {  	s31 =	sshll.u32 s1, $0xD;
	s1 =	sshrl.u32 s1, $0x2  }
0xba: {  	s3 =	sand.u32 $0x4000, s31;
	s1 =	sadd.s32 s1, s30  }
0xbb: {  	s0 =	sor.u32 s3, s0;
	s1 =	sshll.u32 s1, $0x11  }
0xbc: {  	s0 =	sor.u32 s1, s0  }
0xbd: {  	s0 =	sadd.s32 $0x8F2B, s0  }
0xbe: {  	[sflag:s0] =	ssyncadd.remote.s32 $0x1  }
0xbf: {  	_ =	sfence.sel $0xFFFF  }
0xc0: {  	[dreg:$0x0] =	wrdreg $0xFFFFFFFF;
	(pc) =	sbr.abs _section_cstart, $3  }
0xc1: {  	[dreg:$0x1] =	wrdreg $0xFFFFFFFF  }
0xc2: {  	_ =	task.clear_ibuf [dreg:s7], $0x2FFFF;
	_ =	strace $0x9FFFFFFF  }
0xc3: {  	(tm) =	ssettm $0x7FFFFFFF  }
tec
execute0_lowered:
.L_overlay_start_1:
0x0: {  	(tag) =	ssettag $0x1  }
0x1: {  	s7 =	rddreg [dreg:$0x0]  }
0x2: {  	s0 =	srdreg.scid;
	s6 =	rddreg [dreg:$0x1]  }
0x3: {  	s2 =	rddreg [dreg:$0x2];
	s1 =	stileid.u32;
	s3 =	simm.s32 $0x0  }
0x4: {  	s14 =	simm.s32 $0x0;
	s5 =	sand.u32 $0x1, s0;
	s0 =	rddreg [dreg:$0x3]  }
0x5: {  	[smem:$0x7FF] =	sst s3;
	s9 =	smul.u32 $0x1400, s1;
	s31 =	sshll.u32 s1, $0x6  }
0x6: {  	s4 =	sshll.u32 s5, $0x4;
	_ =	strace $0x80000047;
	s8 =	ssub.s32 $0x2, s5  }
0x7: {  	s12 =	smul.u32 $0x14000, s5;
	p0 =	seq.s32 s5, $0x0;
	s4 =	sor.u32 s1, s4  }
0x8: {  	s11 =	sshrl.u32 s8, $0x1;
	s28 =	sadd.s32 s9, s2;
	s4 =	smul.u32 $0x4E2, s4  }
0x9: {  	s8 =	ssub.s32 s8, s11;
	s29 =	sadd.s32 s9, s12;
	s12 =	simm.s32 $0x17A00  }
0xa: {  	s9 =	sshrl.u32 s9, $0x3;
	s11 =	simm.s32 $0x1;
	s13 =	sshrl.u32 s29, $0x3  }
0xb: {  	s12 =	simm.s32 @!p0 $0x15200;
	s10 =	sadd.s32 s4, s7;
	s4 =	sadd.s32 $0x1A200, s7  }
0xc: {  	s6 =	sadd.s32 s6, s13;
	s30 =	sadd.s32 s12, s7;
	s7 =	smax.u32 s8, $0x1  }
0xd: {  	s12 =	simm.s32 $0x2710;
	s13 =	simm.s32 $0x50;
	s5 =	sadd.s32 $0x1600, s10  }
0xe: {  	s8 =	sadd.s32 s30, s9;
	s9 =	sor.u32 $0x1C01, s31;
	s10 =	sshrl.u32 s28, $0x3  }
.LBB2_1:
0xf: {  	[spmem:s10], [sflag:s9] =	dma.local [hbm:s8], $0x280  }
0x10: {  	_ =	swait.ge [sflag:s11], $0x280  }
0x11: {  	[sflag:s11] =	ssyncset.done $0x0  }
0x12: {  	[sflag:s11] =	ssyncadd.s32 $0xFFFFFD80  }
0x13: {  	[tilespmem:s3], [sflag:$0x1] =	stream.linear.gather [hbm4b:s5+s3], $0x2710, $0x38;
	[tilespmem:$0x3D90] =	vst v63  }
0x14: {  	_ =	swait.ge [sflag:s11], $0x2710  }
0x15: {  	[sflag:s11] =	ssyncset.done $0x0  }
0x16: {  	[sflag:s11] =	ssyncadd.s32 $0xFFFFD8F0  }
0x17: {  	[tilespmem:s12], [sflag:$0x1] =	stream.linear.gather [hbm4b:s4+s3], $0x280, $0x38;
	[tilespmem:$0x3D90] =	vst v63  }
0x18: {  	_ =	swait.ge [sflag:s11], $0x280  }
0x19: {  	[sflag:s11] =	ssyncset.done $0x0  }
0x1a: {  	[sflag:s11] =	ssyncadd.s32 $0xFFFFFD80  }
0x1b: {  	s15 =	simm.s32 $0x0;
	[bflag:$0x0] =	sbarrier.arrive $0xFFFF  }
0x1c: {  	[spmem:s2] =	stream.indirect.scatter.add.f32 [tilespmem:s12], [sflag:$0x1], $0x8, s15, s13, $0xb8;
	[tilespmem:$0x3D90] =	vst v63  }
0x1d: {  	_ =	swait.ge [sflag:s11], $0x280  }
0x1e: {  	s15 =	simm.s32 $0x140;
	[sflag:s11] =	ssyncset.done $0x0  }
.LBB2_2:
0x1f: {  	s16 =	sshra.s32 s15, $0x2;
	[sflag:s11] =	ssyncadd.s32 $0xFFFFFD80;
	p0 =	sne.s32 s15, $0x9B00  }
0x20: {  	[spmem:s2] =	stream.indirect.scatter.add.f32 [tilespmem:s12], [sflag:$0x1], $0x8, s16, s13, $0xb8;
	[tilespmem:$0x3D90] =	vst v63  }
.Ltmp0:
0x21: {  	_ = 	snop;
	(pc) =	sbr.rel @p0 .LBB2_2-.Ltmp0, $4  }
0x22: {  	_ = 	snop  }
0x23: {  	s15 =	sadd.s32 $0x140, s15  }
0x24: {  	_ =	swait.ge [sflag:s11], $0x280  }
0x25: {  	[sflag:s11] =	ssyncset.done $0x0  }
0x26: {  	s14 =	sadd.s32 $0x1, s14  }
0x27: {  	[sflag:s11] =	ssyncadd.s32 $0xFFFFFD80;
	p0 =	sne.s32 s14, s7  }
.Ltmp1:
0x28: {  	[bflag:$0x0] =	sbarrier.arrive $0xFFFF;
	(pc) =	sbr.rel @p0 .LBB2_1-.Ltmp1, $4  }
0x29: {  	[hbm:s6], [sflag:s9] =	dma.local [spmem:s10], $0x280  }
0x2a: {  	_ =	swait.ge [sflag:s11], $0x280  }
0x2b: {  	[sflag:s11] =	ssyncset.done $0x0  }
0x2c: {  	[sflag:s11] =	ssyncadd.s32 $0xFFFFFD80  }
0x2d: {  	_ =	sfence.sel $0x180000  }
0x2e: {  	[bflag:$0x0] =	sbarrier.arrive $0xFFFF  }
0x2f: {  	p0 =	sne.s32 s1, $0x0;
	_ =	strace $0x90000047  }
0x30: {  	s0 =	sadd.s32 @!p0 $0x100000, s0;
	[bflag:$0x2] =	sbarrier.arrive $0xFFFF  }
0x31: {  	[sflag:s0] =	ssyncadd.tile.s32 @!p0 $0x1;
	_ =	shalt  }
.Lfunc_end2:
_tile_overlayer_lowered:
.L_overlay_start_2:
0x32: {  	(tag) =	ssettag $0x2  }
0x33: {  	s0 =	rddreg [dreg:$0x0];
	s2 =	stileid.u32  }
0x34: {  	s1 =	rddreg [dreg:$0x1];
	p0 =	sne.s32 s2, $0x0  }
0x35: {  	s3 =	rddreg [dreg:$0x2];
	[bflag:$0x3] =	sbarrier.arrive $0xFFFF;
	s2 =	simm.s32 @!p0 $0x1C01  }
0x36: {  	[timem:s3], [sflag:s2] =	dma.local @!p0 [hbm:s0], s1  }
0x37: {  	s0 =	simm.s32 @!p0 $0x1  }
0x38: {  	_ =	swait.ge @!p0 [sflag:s0], s1  }
0x39: {  	s1 =	ssub.s32 @!p0 $0x0, s1;
	[sflag:s0] =	ssyncset.done @!p0 $0x0  }
0x3a: {  	[sflag:s0] =	ssyncadd.s32 @!p0 s1  }
0x3b: {  	[bflag:$0x3] =	sbarrier.arrive $0xFFFF  }
0x3c: {  	_ =	shalt  }

</sc_bundles>
